<compile_context>
chip_gen: v7x
topology: tpu7x:2x2x1
jax: 0.10.2.dev20260603
libtpu: 0.0.44.dev20260713+nightly
codegen_flags: <defaults>
</compile_context>

<pallas_src>
import functools

import jax
import jax.numpy as jnp
from jax import lax
from jax.experimental import pallas as pl
from jax.experimental.pallas import tpu as pltpu
from jax.experimental.pallas import tpu_sc as plsc

N = 10000
E = 320000
D = 128
_DW = D // 2

_NC = 2
_NS = 16
_NW = _NC * _NS
_EPW = E // _NW
_NSLAB = 2
_ES = E // _NSLAB
_EPWS = _ES // _NW
_C = 40
_NCH = _EPWS // _C
_NB = 4
_LK = 2


def _pre_body(x_ref, w1_ref, b1_ref, p_ref, q_ref):
    xv = x_ref[...]
    wa = w1_ref[:D, :] - w1_ref[D:, :]
    wb = w1_ref[D:, :]
    p = jnp.dot(xv, wa, preferred_element_type=jnp.float32) + b1_ref[...]
    q = jnp.dot(xv, wb, preferred_element_type=jnp.float32)
    p_ref[...] = p.astype(jnp.bfloat16)
    q_ref[...] = q.astype(jnp.bfloat16)


def _precompute(x, W1, b1):
    return pl.pallas_call(
        _pre_body,
        out_shape=(
            jax.ShapeDtypeStruct((N, D), jnp.bfloat16),
            jax.ShapeDtypeStruct((N, D), jnp.bfloat16),
        ),
    )(x, W1, b1.reshape(1, D))


def _pack_i32(a):
    return jax.lax.bitcast_convert_type(a.reshape(a.shape[0], _DW, 2),
                                        jnp.int32)


def _gather_body(p_hbm, q_hbm, row_hbm, col_hbm, g_hbm,
                 idxr_v, idxc_v, prow_v, qrow_v, semp, semq, so):
    wid = lax.axis_index("s") * _NC + lax.axis_index("c")
    base = wid * _EPWS

    pltpu.sync_copy(row_hbm.at[wid], idxr_v)
    pltpu.sync_copy(col_hbm.at[wid], idxc_v)

    def issue_gather(i, b):
        pltpu.async_copy(p_hbm.at[idxr_v.at[i]], prow_v[b], semp[b])
        pltpu.async_copy(q_hbm.at[idxc_v.at[i]], qrow_v[b], semq[b])

    def wait_gather(b):
        pltpu.make_async_copy(p_hbm.at[idxr_v.at[0]], prow_v[b], semp[b]).wait()
        pltpu.make_async_copy(q_hbm.at[idxc_v.at[0]], qrow_v[b], semq[b]).wait()

    def issue_store(i, b):
        rows = pl.ds(base + i * _C, _C)
        pltpu.async_copy(prow_v[b], g_hbm.at[rows, pl.ds(0, _DW)], so[b])
        pltpu.async_copy(qrow_v[b], g_hbm.at[rows, pl.ds(_DW, _DW)], so[b])

    def wait_store(b):
        rows = pl.ds(base, _C)
        pltpu.make_async_copy(prow_v[b], g_hbm.at[rows, pl.ds(0, _DW)],
                              so[b]).wait()
        pltpu.make_async_copy(qrow_v[b], g_hbm.at[rows, pl.ds(_DW, _DW)],
                              so[b]).wait()

    for i in range(_LK):
        issue_gather(i, i % _NB)

    def step(i, b):
        nxt = i + _LK
        nxt_b = (b + _LK) % _NB

        def prefetch():
            pl.when(i >= _NB - _LK)(lambda: wait_store(nxt_b))
            issue_gather(nxt, nxt_b)

        pl.when(nxt < _NCH)(prefetch)
        wait_gather(b)
        issue_store(i, b)

    def group(g, carry):
        for b in range(_NB):
            step(_NB * g + b, b)
        return carry

    lax.fori_loop(0, _NCH // _NB, group, 0)

    for k in range(_NCH - (_NCH // _NB) * _NB):
        i = (_NCH // _NB) * _NB + k
        wait_gather(k)
        issue_store(i, k)

    for b in range(_NB):
        wait_store(b)


def _gather_stage(Ppk, Qpk, row2, col2):
    mesh = plsc.VectorSubcoreMesh(core_axis_name="c", subcore_axis_name="s")
    fn = pl.kernel(
        _gather_body,
        out_type=jax.ShapeDtypeStruct((_ES, D), jnp.int32),
        mesh=mesh,
        compiler_params=pltpu.CompilerParams(use_tc_tiling_on_sc=False),
        scratch_types=[
            pltpu.VMEM((_NCH, _C), jnp.int32),
            pltpu.VMEM((_NCH, _C), jnp.int32),
            [pltpu.VMEM((_C, _DW), jnp.int32)] * _NB,
            [pltpu.VMEM((_C, _DW), jnp.int32)] * _NB,
            [pltpu.SemaphoreType.DMA] * _NB,
            [pltpu.SemaphoreType.DMA] * _NB,
            [pltpu.SemaphoreType.DMA] * _NB,
        ],
    )
    return fn(Ppk, Qpk, row2, col2)


_BE = 4000


def _mlp_body(g_ref, w2e_ref, w2o_ref, b2_ref, o_ref):
    gw = g_ref[...]
    pw = gw[:, :_DW]
    qw = gw[:, _DW:]
    p_even = jax.lax.bitcast_convert_type(pw << 16, jnp.float32)
    p_odd = jax.lax.bitcast_convert_type(pw & (-65536), jnp.float32)
    q_even = jax.lax.bitcast_convert_type(qw << 16, jnp.float32)
    q_odd = jax.lax.bitcast_convert_type(qw & (-65536), jnp.float32)
    h_even = jnp.maximum(p_even + q_even, 0.0).astype(jnp.bfloat16)
    h_odd = jnp.maximum(p_odd + q_odd, 0.0).astype(jnp.bfloat16)
    acc = jnp.dot(h_even, w2e_ref[...].astype(jnp.bfloat16),
                  preferred_element_type=jnp.float32)
    acc += jnp.dot(h_odd, w2o_ref[...].astype(jnp.bfloat16),
                   preferred_element_type=jnp.float32)
    o_ref[...] = jnp.maximum(acc + b2_ref[...], 0.0)


def _mlp_body2(g_ref, w2e_ref, w2o_ref, b2_ref, oprev_ref, o_ref):
    _mlp_body(g_ref, w2e_ref, w2o_ref, b2_ref, o_ref)


_NBLK = _ES // _BE


def _mlp2_slab(g, W2e, W2o, b2, out_prev, blk0):
    if out_prev is None:
        return pl.pallas_call(
            _mlp_body,
            grid=(_NBLK,),
            in_specs=[
                pl.BlockSpec((_BE, D), lambda i: (i, 0)),
                pl.BlockSpec((_DW, D), lambda i: (0, 0)),
                pl.BlockSpec((_DW, D), lambda i: (0, 0)),
                pl.BlockSpec((1, D), lambda i: (0, 0)),
            ],
            out_specs=pl.BlockSpec((_BE, D), lambda i: (i + blk0, 0)),
            out_shape=jax.ShapeDtypeStruct((E, D), jnp.float32),
        )(g, W2e, W2o, b2.reshape(1, D))
    return pl.pallas_call(
        _mlp_body2,
        grid=(_NBLK,),
        in_specs=[
            pl.BlockSpec((_BE, D), lambda i: (i, 0)),
            pl.BlockSpec((_DW, D), lambda i: (0, 0)),
            pl.BlockSpec((_DW, D), lambda i: (0, 0)),
            pl.BlockSpec((1, D), lambda i: (0, 0)),
            pl.BlockSpec(memory_space=pl.ANY),
        ],
        out_specs=pl.BlockSpec((_BE, D), lambda i: (i + blk0, 0)),
        out_shape=jax.ShapeDtypeStruct((E, D), jnp.float32),
        input_output_aliases={4: 0},
    )(g, W2e, W2o, b2.reshape(1, D), out_prev)


@jax.jit
def kernel(x, edge_index, W1, b1, W2, b2):
    row = edge_index[0].astype(jnp.int32)
    col = edge_index[1].astype(jnp.int32)
    P, Q = _precompute(x, W1, b1)
    Ppk = _pack_i32(P)
    Qpk = _pack_i32(Q)
    W2e = W2[0::2]
    W2o = W2[1::2]
    gs = []
    for sidx in range(_NSLAB):
        r2 = row[sidx * _ES:(sidx + 1) * _ES].reshape(_NW, _NCH, _C)
        c2 = col[sidx * _ES:(sidx + 1) * _ES].reshape(_NW, _NCH, _C)
        gs.append(_gather_stage(Ppk, Qpk, r2, c2))
    out = None
    for sidx in range(_NSLAB):
        out = _mlp2_slab(gs[sidx], W2e, W2o, b2, out, sidx * _NBLK)
    return out

# --- scband reference (transcript-rebuilt; emitter-appended) ---
"""Pipeline reference for scband-edge-conv-71579924955361 (READ-ONLY COPY).

The authoritative reference and input builder live on the scoring server;
editing this copy changes nothing except your own understanding.
"""

import jax, jax.numpy as jnp
import numpy as np

N = 10000
E = 320000
D_IN = 128
D_OUT = 128


def setup_inputs(seed: int = 0) -> dict:
    key = jax.random.key(seed)
    k_x, k_e, k_w1, k_b1, k_w2, k_b2 = jax.random.split(key, 6)
    x = jax.random.normal(k_x, (N, D_IN), dtype=jnp.float32)
    edge_index = jax.random.randint(k_e, (2, E), 0, N, dtype=jnp.int64)
    # Linear layers stored as [in, out] for x @ W + b
    lim1 = 1.0 / np.sqrt(2 * D_IN)
    W1 = jax.random.uniform(k_w1, (2 * D_IN, D_OUT), dtype=jnp.float32, minval=-lim1, maxval=lim1)
    b1 = jax.random.uniform(k_b1, (D_OUT,), dtype=jnp.float32, minval=-lim1, maxval=lim1)
    lim2 = 1.0 / np.sqrt(D_OUT)
    W2 = jax.random.uniform(k_w2, (D_OUT, D_OUT), dtype=jnp.float32, minval=-lim2, maxval=lim2)
    b2 = jax.random.uniform(k_b2, (D_OUT,), dtype=jnp.float32, minval=-lim2, maxval=lim2)
    return {"x": x, "edge_index": edge_index, "W1": W1, "b1": b1, "W2": W2, "b2": b2}


def reference(x, edge_index, W1, b1, W2, b2):
    row = edge_index[0]
    col = edge_index[1]
    x_row = jnp.take(x, row, axis=0)
    x_col = jnp.take(x, col, axis=0)
    feat = jnp.concatenate([x_row, x_col - x_row], axis=-1)
    h = jax.nn.relu(feat @ W1 + b1)
    out = jax.nn.relu(h @ W2 + b2)
    return out

if __name__ == "__main__":
    import jax
    _d = setup_inputs()
    print(jax.jit(kernel)(*tuple(_d.values())))

</pallas_src>

<mosaic_0001>
#map = affine_map<(d0, d1) -> (0, 0)>
#map1 = affine_map<(d0, d1) -> (0, 0, 0)>
module attributes {stable_mosaic.version = 14 : i64} {
  func.func @_gather_body(%arg0: i32, %arg1: i32, %arg2: memref<10000x64xi32, #tpu.memory_space<hbm>>, %arg3: memref<10000x64xi32, #tpu.memory_space<hbm>>, %arg4: memref<32x125x40xi32, #tpu.memory_space<hbm>>, %arg5: memref<32x125x40xi32, #tpu.memory_space<hbm>>, %arg6: memref<160000x128xi32, #tpu.memory_space<hbm>>, %arg7: memref<125x40xi32, #tpu.memory_space<vmem>>, %arg8: memref<125x40xi32, #tpu.memory_space<vmem>>, %arg9: memref<40x64xi32, #tpu.memory_space<vmem>>, %arg10: memref<40x64xi32, #tpu.memory_space<vmem>>, %arg11: memref<40x64xi32, #tpu.memory_space<vmem>>, %arg12: memref<40x64xi32, #tpu.memory_space<vmem>>, %arg13: memref<40x64xi32, #tpu.memory_space<vmem>>, %arg14: memref<40x64xi32, #tpu.memory_space<vmem>>, %arg15: memref<40x64xi32, #tpu.memory_space<vmem>>, %arg16: memref<40x64xi32, #tpu.memory_space<vmem>>, %arg17: memref<!tpu.dma_semaphore, #tpu.memory_space<semaphore_mem>>, %arg18: memref<!tpu.dma_semaphore, #tpu.memory_space<semaphore_mem>>, %arg19: memref<!tpu.dma_semaphore, #tpu.memory_space<semaphore_mem>>, %arg20: memref<!tpu.dma_semaphore, #tpu.memory_space<semaphore_mem>>, %arg21: memref<!tpu.dma_semaphore, #tpu.memory_space<semaphore_mem>>, %arg22: memref<!tpu.dma_semaphore, #tpu.memory_space<semaphore_mem>>, %arg23: memref<!tpu.dma_semaphore, #tpu.memory_space<semaphore_mem>>, %arg24: memref<!tpu.dma_semaphore, #tpu.memory_space<semaphore_mem>>, %arg25: memref<!tpu.dma_semaphore, #tpu.memory_space<semaphore_mem>>, %arg26: memref<!tpu.dma_semaphore, #tpu.memory_space<semaphore_mem>>, %arg27: memref<!tpu.dma_semaphore, #tpu.memory_space<semaphore_mem>>, %arg28: memref<!tpu.dma_semaphore, #tpu.memory_space<semaphore_mem>>) attributes {dimension_semantics = [#tpu.dimension_semantics<core_parallel>, #tpu.dimension_semantics<subcore_parallel>], iteration_bounds = array<i64: 2, 16>, scalar_prefetch = 0 : i64, scratch_operands = 22 : i64, tpu.core_type = #tpu.core_type<sc_vector_subcore>, window_params = [{transform_indices = #map}, {transform_indices = #map}, {transform_indices = #map1}, {transform_indices = #map1}, {transform_indices = #map}]} {
    %mul3A = arith.constant 2 : i32
    %mul3A_0 = arith.muli %arg1, %mul3A : i32
    %add3A = arith.addi %mul3A_0, %arg0 : i32
    %mul3A_1 = arith.constant 5000 : i32
    %mul3A_2 = arith.muli %add3A, %mul3A_1 : i32
    "tpu.region"() ({
      %run_scoped3A = tpu.sem_alloc : memref<!tpu.dma_semaphore, #tpu.memory_space<semaphore_mem>>
      %dma_start3A_90 = arith.constant 0 : i32
      %dma_start3A_91 = arith.constant 0 : i32
      %dma_start3A_92 = tpu.memref_slice %arg4[%add3A, %dma_start3A_90, %dma_start3A_91] : memref<32x125x40xi32, #tpu.memory_space<hbm>> -> memref<1x125x40xi32, #tpu.memory_space<hbm>>
      %dma_start3A_93 = tpu.memref_squeeze %dma_start3A_92 : memref<1x125x40xi32, #tpu.memory_space<hbm>> -> memref<125x40xi32, #tpu.memory_space<hbm>>
      %dma_start3A_94 = arith.constant 0 : i32
      %dma_start3A_95 = arith.constant 0 : i32
      %dma_start3A_96 = tpu.memref_slice %arg4[%add3A, %dma_start3A_94, %dma_start3A_95] : memref<32x125x40xi32, #tpu.memory_space<hbm>> -> memref<1x125x40xi32, #tpu.memory_space<hbm>>
      %dma_start3A_97 = tpu.memref_squeeze %dma_start3A_96 : memref<1x125x40xi32, #tpu.memory_space<hbm>> -> memref<125x40xi32, #tpu.memory_space<hbm>>
      tpu.enqueue_dma source(%dma_start3A_97 : memref<125x40xi32, #tpu.memory_space<hbm>>) target(%arg7 : memref<125x40xi32, #tpu.memory_space<vmem>>) target_semaphore(%run_scoped3A : memref<!tpu.dma_semaphore, #tpu.memory_space<semaphore_mem>>)
      %dma_wait3A_98 = arith.constant 0 : i32
      %dma_wait3A_99 = arith.constant 0 : i32
      %dma_wait3A_100 = tpu.memref_slice %arg4[%add3A, %dma_wait3A_98, %dma_wait3A_99] : memref<32x125x40xi32, #tpu.memory_space<hbm>> -> memref<1x125x40xi32, #tpu.memory_space<hbm>>
      %dma_wait3A_101 = tpu.memref_squeeze %dma_wait3A_100 : memref<1x125x40xi32, #tpu.memory_space<hbm>> -> memref<125x40xi32, #tpu.memory_space<hbm>>
      %dma_wait3A_102 = arith.constant 0 : i32
      %dma_wait3A_103 = arith.constant 0 : i32
      %dma_wait3A_104 = tpu.memref_slice %arg4[%add3A, %dma_wait3A_102, %dma_wait3A_103] : memref<32x125x40xi32, #tpu.memory_space<hbm>> -> memref<1x125x40xi32, #tpu.memory_space<hbm>>
      %dma_wait3A_105 = tpu.memref_squeeze %dma_wait3A_104 : memref<1x125x40xi32, #tpu.memory_space<hbm>> -> memref<125x40xi32, #tpu.memory_space<hbm>>
      tpu.wait_dma2 semaphore(%run_scoped3A : memref<!tpu.dma_semaphore, #tpu.memory_space<semaphore_mem>>) src(%dma_wait3A_105 : memref<125x40xi32, #tpu.memory_space<hbm>>) dst(%arg7 : memref<125x40xi32, #tpu.memory_space<vmem>>)
      tpu.yield
    }) : () -> ()
    "tpu.region"() ({
      %run_scoped3A = tpu.sem_alloc : memref<!tpu.dma_semaphore, #tpu.memory_space<semaphore_mem>>
      %dma_start3A_90 = arith.constant 0 : i32
      %dma_start3A_91 = arith.constant 0 : i32
      %dma_start3A_92 = tpu.memref_slice %arg5[%add3A, %dma_start3A_90, %dma_start3A_91] : memref<32x125x40xi32, #tpu.memory_space<hbm>> -> memref<1x125x40xi32, #tpu.memory_space<hbm>>
      %dma_start3A_93 = tpu.memref_squeeze %dma_start3A_92 : memref<1x125x40xi32, #tpu.memory_space<hbm>> -> memref<125x40xi32, #tpu.memory_space<hbm>>
      %dma_start3A_94 = arith.constant 0 : i32
      %dma_start3A_95 = arith.constant 0 : i32
      %dma_start3A_96 = tpu.memref_slice %arg5[%add3A, %dma_start3A_94, %dma_start3A_95] : memref<32x125x40xi32, #tpu.memory_space<hbm>> -> memref<1x125x40xi32, #tpu.memory_space<hbm>>
      %dma_start3A_97 = tpu.memref_squeeze %dma_start3A_96 : memref<1x125x40xi32, #tpu.memory_space<hbm>> -> memref<125x40xi32, #tpu.memory_space<hbm>>
      tpu.enqueue_dma source(%dma_start3A_97 : memref<125x40xi32, #tpu.memory_space<hbm>>) target(%arg8 : memref<125x40xi32, #tpu.memory_space<vmem>>) target_semaphore(%run_scoped3A : memref<!tpu.dma_semaphore, #tpu.memory_space<semaphore_mem>>)
      %dma_wait3A_98 = arith.constant 0 : i32
      %dma_wait3A_99 = arith.constant 0 : i32
      %dma_wait3A_100 = tpu.memref_slice %arg5[%add3A, %dma_wait3A_98, %dma_wait3A_99] : memref<32x125x40xi32, #tpu.memory_space<hbm>> -> memref<1x125x40xi32, #tpu.memory_space<hbm>>
      %dma_wait3A_101 = tpu.memref_squeeze %dma_wait3A_100 : memref<1x125x40xi32, #tpu.memory_space<hbm>> -> memref<125x40xi32, #tpu.memory_space<hbm>>
      %dma_wait3A_102 = arith.constant 0 : i32
      %dma_wait3A_103 = arith.constant 0 : i32
      %dma_wait3A_104 = tpu.memref_slice %arg5[%add3A, %dma_wait3A_102, %dma_wait3A_103] : memref<32x125x40xi32, #tpu.memory_space<hbm>> -> memref<1x125x40xi32, #tpu.memory_space<hbm>>
      %dma_wait3A_105 = tpu.memref_squeeze %dma_wait3A_104 : memref<1x125x40xi32, #tpu.memory_space<hbm>> -> memref<125x40xi32, #tpu.memory_space<hbm>>
      tpu.wait_dma2 semaphore(%run_scoped3A : memref<!tpu.dma_semaphore, #tpu.memory_space<semaphore_mem>>) src(%dma_wait3A_105 : memref<125x40xi32, #tpu.memory_space<hbm>>) dst(%arg8 : memref<125x40xi32, #tpu.memory_space<vmem>>)
      tpu.yield
    }) : () -> ()
    %dma_start3A = arith.constant 0 : i32
    %dma_start3A_3 = arith.constant 0 : i32
    %dma_start3A_4 = tpu.memref_slice %arg7[%dma_start3A, %dma_start3A_3] : memref<125x40xi32, #tpu.memory_space<vmem>> -> memref<1x40xi32, #tpu.memory_space<vmem>>
    %dma_start3A_5 = tpu.memref_squeeze %dma_start3A_4 : memref<1x40xi32, #tpu.memory_space<vmem>> -> memref<40xi32, #tpu.memory_space<vmem>>
    %dma_start3A_6 = arith.constant 0 : i32
    %dma_start3A_7 = arith.constant 0 : i32
    %dma_start3A_8 = tpu.memref_slice %arg2[%dma_start3A_6, %dma_start3A_7] : memref<10000x64xi32, #tpu.memory_space<hbm>> -> memref<10000x64xi32, #tpu.memory_space<hbm>>
    tpu.enqueue_indirect_dma source(%dma_start3A_8 : memref<10000x64xi32, #tpu.memory_space<hbm>>) target(%arg9 : memref<40x64xi32, #tpu.memory_space<vmem>>) offsets(%dma_start3A_5 : memref<40xi32, #tpu.memory_space<vmem>>) semaphore(%arg17 : memref<!tpu.dma_semaphore, #tpu.memory_space<semaphore_mem>>)
    %dma_start3A_9 = arith.constant 0 : i32
    %dma_start3A_10 = arith.constant 0 : i32
    %dma_start3A_11 = tpu.memref_slice %arg8[%dma_start3A_9, %dma_start3A_10] : memref<125x40xi32, #tpu.memory_space<vmem>> -> memref<1x40xi32, #tpu.memory_space<vmem>>
    %dma_start3A_12 = tpu.memref_squeeze %dma_start3A_11 : memref<1x40xi32, #tpu.memory_space<vmem>> -> memref<40xi32, #tpu.memory_space<vmem>>
    %dma_start3A_13 = arith.constant 0 : i32
    %dma_start3A_14 = arith.constant 0 : i32
    %dma_start3A_15 = tpu.memref_slice %arg3[%dma_start3A_13, %dma_start3A_14] : memref<10000x64xi32, #tpu.memory_space<hbm>> -> memref<10000x64xi32, #tpu.memory_space<hbm>>
    tpu.enqueue_indirect_dma source(%dma_start3A_15 : memref<10000x64xi32, #tpu.memory_space<hbm>>) target(%arg13 : memref<40x64xi32, #tpu.memory_space<vmem>>) offsets(%dma_start3A_12 : memref<40xi32, #tpu.memory_space<vmem>>) semaphore(%arg21 : memref<!tpu.dma_semaphore, #tpu.memory_space<semaphore_mem>>)
    %dma_start3A_16 = arith.constant 1 : i32
    %dma_start3A_17 = arith.constant 0 : i32
    %dma_start3A_18 = tpu.memref_slice %arg7[%dma_start3A_16, %dma_start3A_17] : memref<125x40xi32, #tpu.memory_space<vmem>> -> memref<1x40xi32, #tpu.memory_space<vmem>>
    %dma_start3A_19 = tpu.memref_squeeze %dma_start3A_18 : memref<1x40xi32, #tpu.memory_space<vmem>> -> memref<40xi32, #tpu.memory_space<vmem>>
    %dma_start3A_20 = arith.constant 0 : i32
    %dma_start3A_21 = arith.constant 0 : i32
    %dma_start3A_22 = tpu.memref_slice %arg2[%dma_start3A_20, %dma_start3A_21] : memref<10000x64xi32, #tpu.memory_space<hbm>> -> memref<10000x64xi32, #tpu.memory_space<hbm>>
    tpu.enqueue_indirect_dma source(%dma_start3A_22 : memref<10000x64xi32, #tpu.memory_space<hbm>>) target(%arg10 : memref<40x64xi32, #tpu.memory_space<vmem>>) offsets(%dma_start3A_19 : memref<40xi32, #tpu.memory_space<vmem>>) semaphore(%arg18 : memref<!tpu.dma_semaphore, #tpu.memory_space<semaphore_mem>>)
    %dma_start3A_23 = arith.constant 1 : i32
    %dma_start3A_24 = arith.constant 0 : i32
    %dma_start3A_25 = tpu.memref_slice %arg8[%dma_start3A_23, %dma_start3A_24] : memref<125x40xi32, #tpu.memory_space<vmem>> -> memref<1x40xi32, #tpu.memory_space<vmem>>
    %dma_start3A_26 = tpu.memref_squeeze %dma_start3A_25 : memref<1x40xi32, #tpu.memory_space<vmem>> -> memref<40xi32, #tpu.memory_space<vmem>>
    %dma_start3A_27 = arith.constant 0 : i32
    %dma_start3A_28 = arith.constant 0 : i32
    %dma_start3A_29 = tpu.memref_slice %arg3[%dma_start3A_27, %dma_start3A_28] : memref<10000x64xi32, #tpu.memory_space<hbm>> -> memref<10000x64xi32, #tpu.memory_space<hbm>>
    tpu.enqueue_indirect_dma source(%dma_start3A_29 : memref<10000x64xi32, #tpu.memory_space<hbm>>) target(%arg14 : memref<40x64xi32, #tpu.memory_space<vmem>>) offsets(%dma_start3A_26 : memref<40xi32, #tpu.memory_space<vmem>>) semaphore(%arg22 : memref<!tpu.dma_semaphore, #tpu.memory_space<semaphore_mem>>)
    %scan3A = arith.constant 0 : i32
    %scan3A_30 = arith.constant 0 : i32
    %scan3A_31 = arith.constant 31 : i32
    %scan3A_32 = arith.addi %scan3A_30, %scan3A_31 : i32
    %scan3A_33 = arith.constant 1 : i32
    scf.for %scan3A_90 = %scan3A_30 to %scan3A_32 step %scan3A_33  : i32 {
      %mul3A_91 = arith.constant 4 : i32
      %mul3A_92 = arith.muli %mul3A_91, %scan3A_90 : i32
      %add3A_93 = arith.constant 0 : i32
      %add3A_94 = arith.addi %mul3A_92, %add3A_93 : i32
      %add3A_95 = arith.constant 2 : i32
      %add3A_96 = arith.addi %add3A_94, %add3A_95 : i32
      %lt3A = arith.constant 125 : i32
      %lt3A_97 = arith.cmpi slt, %add3A_96, %lt3A : i32
      %convert_element_type3A = arith.extui %lt3A_97 : i1 to i32
      %cond3A = arith.constant 0 : i32
      %cond3A_98 = arith.cmpi ne, %convert_element_type3A, %cond3A : i32
      scf.if %cond3A_98 {
        %ge3A = arith.constant 2 : i32
        %ge3A_232 = arith.cmpi sge, %add3A_94, %ge3A : i32
        %convert_element_type3A_233 = arith.extui %ge3A_232 : i1 to i32
        %cond3A_234 = arith.constant 0 : i32
        %cond3A_235 = arith.cmpi ne, %convert_element_type3A_233, %cond3A_234 : i32
        scf.if %cond3A_235 {
          %dma_wait3A_248 = arith.constant 0 : i32
          %dma_wait3A_249 = tpu.memref_slice %arg6[%mul3A_2, %dma_wait3A_248] : memref<160000x128xi32, #tpu.memory_space<hbm>> -> memref<40x64xi32, #tpu.memory_space<hbm>>
          %dma_wait3A_250 = arith.constant 0 : i32
          %dma_wait3A_251 = tpu.memref_slice %arg6[%mul3A_2, %dma_wait3A_250] : memref<160000x128xi32, #tpu.memory_space<hbm>> -> memref<40x64xi32, #tpu.memory_space<hbm>>
          tpu.wait_dma2 semaphore(%arg27 : memref<!tpu.dma_semaphore, #tpu.memory_space<semaphore_mem>>) src(%arg11 : memref<40x64xi32, #tpu.memory_space<vmem>>) dst(%dma_wait3A_251 : memref<40x64xi32, #tpu.memory_space<hbm>>)
          %dma_wait3A_252 = arith.constant 64 : i32
          %dma_wait3A_253 = tpu.memref_slice %arg6[%mul3A_2, %dma_wait3A_252] : memref<160000x128xi32, #tpu.memory_space<hbm>> -> memref<40x64xi32, #tpu.memory_space<hbm>>
          %dma_wait3A_254 = arith.constant 64 : i32
          %dma_wait3A_255 = tpu.memref_slice %arg6[%mul3A_2, %dma_wait3A_254] : memref<160000x128xi32, #tpu.memory_space<hbm>> -> memref<40x64xi32, #tpu.memory_space<hbm>>
          tpu.wait_dma2 semaphore(%arg27 : memref<!tpu.dma_semaphore, #tpu.memory_space<semaphore_mem>>) src(%arg15 : memref<40x64xi32, #tpu.memory_space<vmem>>) dst(%dma_wait3A_255 : memref<40x64xi32, #tpu.memory_space<hbm>>)
        } else {
        }
        %dma_start3A_236 = arith.constant 0 : i32
        %dma_start3A_237 = tpu.memref_slice %arg7[%add3A_96, %dma_start3A_236] : memref<125x40xi32, #tpu.memory_space<vmem>> -> memref<1x40xi32, #tpu.memory_space<vmem>>
        %dma_start3A_238 = tpu.memref_squeeze %dma_start3A_237 : memref<1x40xi32, #tpu.memory_space<vmem>> -> memref<40xi32, #tpu.memory_space<vmem>>
        %dma_start3A_239 = arith.constant 0 : i32
        %dma_start3A_240 = arith.constant 0 : i32
        %dma_start3A_241 = tpu.memref_slice %arg2[%dma_start3A_239, %dma_start3A_240] : memref<10000x64xi32, #tpu.memory_space<hbm>> -> memref<10000x64xi32, #tpu.memory_space<hbm>>
        tpu.enqueue_indirect_dma source(%dma_start3A_241 : memref<10000x64xi32, #tpu.memory_space<hbm>>) target(%arg11 : memref<40x64xi32, #tpu.memory_space<vmem>>) offsets(%dma_start3A_238 : memref<40xi32, #tpu.memory_space<vmem>>) semaphore(%arg19 : memref<!tpu.dma_semaphore, #tpu.memory_space<semaphore_mem>>)
        %dma_start3A_242 = arith.constant 0 : i32
        %dma_start3A_243 = tpu.memref_slice %arg8[%add3A_96, %dma_start3A_242] : memref<125x40xi32, #tpu.memory_space<vmem>> -> memref<1x40xi32, #tpu.memory_space<vmem>>
        %dma_start3A_244 = tpu.memref_squeeze %dma_start3A_243 : memref<1x40xi32, #tpu.memory_space<vmem>> -> memref<40xi32, #tpu.memory_space<vmem>>
        %dma_start3A_245 = arith.constant 0 : i32
        %dma_start3A_246 = arith.constant 0 : i32
        %dma_start3A_247 = tpu.memref_slice %arg3[%dma_start3A_245, %dma_start3A_246] : memref<10000x64xi32, #tpu.memory_space<hbm>> -> memref<10000x64xi32, #tpu.memory_space<hbm>>
        tpu.enqueue_indirect_dma source(%dma_start3A_247 : memref<10000x64xi32, #tpu.memory_space<hbm>>) target(%arg15 : memref<40x64xi32, #tpu.memory_space<vmem>>) offsets(%dma_start3A_244 : memref<40xi32, #tpu.memory_space<vmem>>) semaphore(%arg23 : memref<!tpu.dma_semaphore, #tpu.memory_space<semaphore_mem>>)
      } else {
      }
      %dma_wait3A_99 = arith.constant 0 : i32
      %dma_wait3A_100 = arith.constant 0 : i32
      %dma_wait3A_101 = tpu.memref_slice %arg7[%dma_wait3A_99, %dma_wait3A_100] : memref<125x40xi32, #tpu.memory_space<vmem>> -> memref<1x40xi32, #tpu.memory_space<vmem>>
      %dma_wait3A_102 = tpu.memref_squeeze %dma_wait3A_101 : memref<1x40xi32, #tpu.memory_space<vmem>> -> memref<40xi32, #tpu.memory_space<vmem>>
      %dma_wait3A_103 = arith.constant 0 : i32
      %dma_wait3A_104 = arith.constant 0 : i32
      %dma_wait3A_105 = tpu.memref_slice %arg2[%dma_wait3A_103, %dma_wait3A_104] : memref<10000x64xi32, #tpu.memory_space<hbm>> -> memref<10000x64xi32, #tpu.memory_space<hbm>>
      tpu.wait_indirect_dma semaphore(%arg17 : memref<!tpu.dma_semaphore, #tpu.memory_space<semaphore_mem>>) src(%dma_wait3A_105 : memref<10000x64xi32, #tpu.memory_space<hbm>>) dst(%arg9 : memref<40x64xi32, #tpu.memory_space<vmem>>)
      %dma_wait3A_106 = arith.constant 0 : i32
      %dma_wait3A_107 = arith.constant 0 : i32
      %dma_wait3A_108 = tpu.memref_slice %arg8[%dma_wait3A_106, %dma_wait3A_107] : memref<125x40xi32, #tpu.memory_space<vmem>> -> memref<1x40xi32, #tpu.memory_space<vmem>>
      %dma_wait3A_109 = tpu.memref_squeeze %dma_wait3A_108 : memref<1x40xi32, #tpu.memory_space<vmem>> -> memref<40xi32, #tpu.memory_space<vmem>>
      %dma_wait3A_110 = arith.constant 0 : i32
      %dma_wait3A_111 = arith.constant 0 : i32
      %dma_wait3A_112 = tpu.memref_slice %arg3[%dma_wait3A_110, %dma_wait3A_111] : memref<10000x64xi32, #tpu.memory_space<hbm>> -> memref<10000x64xi32, #tpu.memory_space<hbm>>
      tpu.wait_indirect_dma semaphore(%arg21 : memref<!tpu.dma_semaphore, #tpu.memory_space<semaphore_mem>>) src(%dma_wait3A_112 : memref<10000x64xi32, #tpu.memory_space<hbm>>) dst(%arg13 : memref<40x64xi32, #tpu.memory_space<vmem>>)
      %mul3A_113 = arith.constant 40 : i32
      %mul3A_114 = arith.muli %add3A_94, %mul3A_113 : i32
      %add3A_115 = arith.addi %mul3A_2, %mul3A_114 : i32
      %dma_start3A_116 = arith.constant 0 : i32
      %dma_start3A_117 = tpu.memref_slice %arg6[%add3A_115, %dma_start3A_116] : memref<160000x128xi32, #tpu.memory_space<hbm>> -> memref<40x64xi32, #tpu.memory_space<hbm>>
      %dma_start3A_118 = arith.constant 0 : i32
      %dma_start3A_119 = tpu.memref_slice %arg6[%add3A_115, %dma_start3A_118] : memref<160000x128xi32, #tpu.memory_space<hbm>> -> memref<40x64xi32, #tpu.memory_space<hbm>>
      tpu.enqueue_dma source(%arg9 : memref<40x64xi32, #tpu.memory_space<vmem>>) target(%dma_start3A_119 : memref<40x64xi32, #tpu.memory_space<hbm>>) target_semaphore(%arg25 : memref<!tpu.dma_semaphore, #tpu.memory_space<semaphore_mem>>)
      %dma_start3A_120 = arith.constant 64 : i32
      %dma_start3A_121 = tpu.memref_slice %arg6[%add3A_115, %dma_start3A_120] : memref<160000x128xi32, #tpu.memory_space<hbm>> -> memref<40x64xi32, #tpu.memory_space<hbm>>
      %dma_start3A_122 = arith.constant 64 : i32
      %dma_start3A_123 = tpu.memref_slice %arg6[%add3A_115, %dma_start3A_122] : memref<160000x128xi32, #tpu.memory_space<hbm>> -> memref<40x64xi32, #tpu.memory_space<hbm>>
      tpu.enqueue_dma source(%arg13 : memref<40x64xi32, #tpu.memory_space<vmem>>) target(%dma_start3A_123 : memref<40x64xi32, #tpu.memory_space<hbm>>) target_semaphore(%arg25 : memref<!tpu.dma_semaphore, #tpu.memory_space<semaphore_mem>>)
      %mul3A_124 = arith.constant 4 : i32
      %mul3A_125 = arith.muli %mul3A_124, %scan3A_90 : i32
      %add3A_126 = arith.constant 1 : i32
      %add3A_127 = arith.addi %mul3A_125, %add3A_126 : i32
      %add3A_128 = arith.constant 2 : i32
      %add3A_129 = arith.addi %add3A_127, %add3A_128 : i32
      %lt3A_130 = arith.constant 125 : i32
      %lt3A_131 = arith.cmpi slt, %add3A_129, %lt3A_130 : i32
      %convert_element_type3A_132 = arith.extui %lt3A_131 : i1 to i32
      %cond3A_133 = arith.constant 0 : i32
      %cond3A_134 = arith.cmpi ne, %convert_element_type3A_132, %cond3A_133 : i32
      scf.if %cond3A_134 {
        %ge3A = arith.constant 2 : i32
        %ge3A_232 = arith.cmpi sge, %add3A_127, %ge3A : i32
        %convert_element_type3A_233 = arith.extui %ge3A_232 : i1 to i32
        %cond3A_234 = arith.constant 0 : i32
        %cond3A_235 = arith.cmpi ne, %convert_element_type3A_233, %cond3A_234 : i32
        scf.if %cond3A_235 {
          %dma_wait3A_248 = arith.constant 0 : i32
          %dma_wait3A_249 = tpu.memref_slice %arg6[%mul3A_2, %dma_wait3A_248] : memref<160000x128xi32, #tpu.memory_space<hbm>> -> memref<40x64xi32, #tpu.memory_space<hbm>>
          %dma_wait3A_250 = arith.constant 0 : i32
          %dma_wait3A_251 = tpu.memref_slice %arg6[%mul3A_2, %dma_wait3A_250] : memref<160000x128xi32, #tpu.memory_space<hbm>> -> memref<40x64xi32, #tpu.memory_space<hbm>>
          tpu.wait_dma2 semaphore(%arg28 : memref<!tpu.dma_semaphore, #tpu.memory_space<semaphore_mem>>) src(%arg12 : memref<40x64xi32, #tpu.memory_space<vmem>>) dst(%dma_wait3A_251 : memref<40x64xi32, #tpu.memory_space<hbm>>)
          %dma_wait3A_252 = arith.constant 64 : i32
          %dma_wait3A_253 = tpu.memref_slice %arg6[%mul3A_2, %dma_wait3A_252] : memref<160000x128xi32, #tpu.memory_space<hbm>> -> memref<40x64xi32, #tpu.memory_space<hbm>>
          %dma_wait3A_254 = arith.constant 64 : i32
          %dma_wait3A_255 = tpu.memref_slice %arg6[%mul3A_2, %dma_wait3A_254] : memref<160000x128xi32, #tpu.memory_space<hbm>> -> memref<40x64xi32, #tpu.memory_space<hbm>>
          tpu.wait_dma2 semaphore(%arg28 : memref<!tpu.dma_semaphore, #tpu.memory_space<semaphore_mem>>) src(%arg16 : memref<40x64xi32, #tpu.memory_space<vmem>>) dst(%dma_wait3A_255 : memref<40x64xi32, #tpu.memory_space<hbm>>)
        } else {
        }
        %dma_start3A_236 = arith.constant 0 : i32
        %dma_start3A_237 = tpu.memref_slice %arg7[%add3A_129, %dma_start3A_236] : memref<125x40xi32, #tpu.memory_space<vmem>> -> memref<1x40xi32, #tpu.memory_space<vmem>>
        %dma_start3A_238 = tpu.memref_squeeze %dma_start3A_237 : memref<1x40xi32, #tpu.memory_space<vmem>> -> memref<40xi32, #tpu.memory_space<vmem>>
        %dma_start3A_239 = arith.constant 0 : i32
        %dma_start3A_240 = arith.constant 0 : i32
        %dma_start3A_241 = tpu.memref_slice %arg2[%dma_start3A_239, %dma_start3A_240] : memref<10000x64xi32, #tpu.memory_space<hbm>> -> memref<10000x64xi32, #tpu.memory_space<hbm>>
        tpu.enqueue_indirect_dma source(%dma_start3A_241 : memref<10000x64xi32, #tpu.memory_space<hbm>>) target(%arg12 : memref<40x64xi32, #tpu.memory_space<vmem>>) offsets(%dma_start3A_238 : memref<40xi32, #tpu.memory_space<vmem>>) semaphore(%arg20 : memref<!tpu.dma_semaphore, #tpu.memory_space<semaphore_mem>>)
        %dma_start3A_242 = arith.constant 0 : i32
        %dma_start3A_243 = tpu.memref_slice %arg8[%add3A_129, %dma_start3A_242] : memref<125x40xi32, #tpu.memory_space<vmem>> -> memref<1x40xi32, #tpu.memory_space<vmem>>
        %dma_start3A_244 = tpu.memref_squeeze %dma_start3A_243 : memref<1x40xi32, #tpu.memory_space<vmem>> -> memref<40xi32, #tpu.memory_space<vmem>>
        %dma_start3A_245 = arith.constant 0 : i32
        %dma_start3A_246 = arith.constant 0 : i32
        %dma_start3A_247 = tpu.memref_slice %arg3[%dma_start3A_245, %dma_start3A_246] : memref<10000x64xi32, #tpu.memory_space<hbm>> -> memref<10000x64xi32, #tpu.memory_space<hbm>>
        tpu.enqueue_indirect_dma source(%dma_start3A_247 : memref<10000x64xi32, #tpu.memory_space<hbm>>) target(%arg16 : memref<40x64xi32, #tpu.memory_space<vmem>>) offsets(%dma_start3A_244 : memref<40xi32, #tpu.memory_space<vmem>>) semaphore(%arg24 : memref<!tpu.dma_semaphore, #tpu.memory_space<semaphore_mem>>)
      } else {
      }
      %dma_wait3A_135 = arith.constant 0 : i32
      %dma_wait3A_136 = arith.constant 0 : i32
      %dma_wait3A_137 = tpu.memref_slice %arg7[%dma_wait3A_135, %dma_wait3A_136] : memref<125x40xi32, #tpu.memory_space<vmem>> -> memref<1x40xi32, #tpu.memory_space<vmem>>
      %dma_wait3A_138 = tpu.memref_squeeze %dma_wait3A_137 : memref<1x40xi32, #tpu.memory_space<vmem>> -> memref<40xi32, #tpu.memory_space<vmem>>
      %dma_wait3A_139 = arith.constant 0 : i32
      %dma_wait3A_140 = arith.constant 0 : i32
      %dma_wait3A_141 = tpu.memref_slice %arg2[%dma_wait3A_139, %dma_wait3A_140] : memref<10000x64xi32, #tpu.memory_space<hbm>> -> memref<10000x64xi32, #tpu.memory_space<hbm>>
      tpu.wait_indirect_dma semaphore(%arg18 : memref<!tpu.dma_semaphore, #tpu.memory_space<semaphore_mem>>) src(%dma_wait3A_141 : memref<10000x64xi32, #tpu.memory_space<hbm>>) dst(%arg10 : memref<40x64xi32, #tpu.memory_space<vmem>>)
      %dma_wait3A_142 = arith.constant 0 : i32
      %dma_wait3A_143 = arith.constant 0 : i32
      %dma_wait3A_144 = tpu.memref_slice %arg8[%dma_wait3A_142, %dma_wait3A_143] : memref<125x40xi32, #tpu.memory_space<vmem>> -> memref<1x40xi32, #tpu.memory_space<vmem>>
      %dma_wait3A_145 = tpu.memref_squeeze %dma_wait3A_144 : memref<1x40xi32, #tpu.memory_space<vmem>> -> memref<40xi32, #tpu.memory_space<vmem>>
      %dma_wait3A_146 = arith.constant 0 : i32
      %dma_wait3A_147 = arith.constant 0 : i32
      %dma_wait3A_148 = tpu.memref_slice %arg3[%dma_wait3A_146, %dma_wait3A_147] : memref<10000x64xi32, #tpu.memory_space<hbm>> -> memref<10000x64xi32, #tpu.memory_space<hbm>>
      tpu.wait_indirect_dma semaphore(%arg22 : memref<!tpu.dma_semaphore, #tpu.memory_space<semaphore_mem>>) src(%dma_wait3A_148 : memref<10000x64xi32, #tpu.memory_space<hbm>>) dst(%arg14 : memref<40x64xi32, #tpu.memory_space<vmem>>)
      %mul3A_149 = arith.constant 40 : i32
      %mul3A_150 = arith.muli %add3A_127, %mul3A_149 : i32
      %add3A_151 = arith.addi %mul3A_2, %mul3A_150 : i32
      %dma_start3A_152 = arith.constant 0 : i32
      %dma_start3A_153 = tpu.memref_slice %arg6[%add3A_151, %dma_start3A_152] : memref<160000x128xi32, #tpu.memory_space<hbm>> -> memref<40x64xi32, #tpu.memory_space<hbm>>
      %dma_start3A_154 = arith.constant 0 : i32
      %dma_start3A_155 = tpu.memref_slice %arg6[%add3A_151, %dma_start3A_154] : memref<160000x128xi32, #tpu.memory_space<hbm>> -> memref<40x64xi32, #tpu.memory_space<hbm>>
      tpu.enqueue_dma source(%arg10 : memref<40x64xi32, #tpu.memory_space<vmem>>) target(%dma_start3A_155 : memref<40x64xi32, #tpu.memory_space<hbm>>) target_semaphore(%arg26 : memref<!tpu.dma_semaphore, #tpu.memory_space<semaphore_mem>>)
      %dma_start3A_156 = arith.constant 64 : i32
      %dma_start3A_157 = tpu.memref_slice %arg6[%add3A_151, %dma_start3A_156] : memref<160000x128xi32, #tpu.memory_space<hbm>> -> memref<40x64xi32, #tpu.memory_space<hbm>>
      %dma_start3A_158 = arith.constant 64 : i32
      %dma_start3A_159 = tpu.memref_slice %arg6[%add3A_151, %dma_start3A_158] : memref<160000x128xi32, #tpu.memory_space<hbm>> -> memref<40x64xi32, #tpu.memory_space<hbm>>
      tpu.enqueue_dma source(%arg14 : memref<40x64xi32, #tpu.memory_space<vmem>>) target(%dma_start3A_159 : memref<40x64xi32, #tpu.memory_space<hbm>>) target_semaphore(%arg26 : memref<!tpu.dma_semaphore, #tpu.memory_space<semaphore_mem>>)
      %mul3A_160 = arith.constant 4 : i32
      %mul3A_161 = arith.muli %mul3A_160, %scan3A_90 : i32
      %add3A_162 = arith.constant 2 : i32
      %add3A_163 = arith.addi %mul3A_161, %add3A_162 : i32
      %add3A_164 = arith.constant 2 : i32
      %add3A_165 = arith.addi %add3A_163, %add3A_164 : i32
      %lt3A_166 = arith.constant 125 : i32
      %lt3A_167 = arith.cmpi slt, %add3A_165, %lt3A_166 : i32
      %convert_element_type3A_168 = arith.extui %lt3A_167 : i1 to i32
      %cond3A_169 = arith.constant 0 : i32
      %cond3A_170 = arith.cmpi ne, %convert_element_type3A_168, %cond3A_169 : i32
      scf.if %cond3A_170 {
        %ge3A = arith.constant 2 : i32
        %ge3A_232 = arith.cmpi sge, %add3A_163, %ge3A : i32
        %convert_element_type3A_233 = arith.extui %ge3A_232 : i1 to i32
        %cond3A_234 = arith.constant 0 : i32
        %cond3A_235 = arith.cmpi ne, %convert_element_type3A_233, %cond3A_234 : i32
        scf.if %cond3A_235 {
          %dma_wait3A_248 = arith.constant 0 : i32
          %dma_wait3A_249 = tpu.memref_slice %arg6[%mul3A_2, %dma_wait3A_248] : memref<160000x128xi32, #tpu.memory_space<hbm>> -> memref<40x64xi32, #tpu.memory_space<hbm>>
          %dma_wait3A_250 = arith.constant 0 : i32
          %dma_wait3A_251 = tpu.memref_slice %arg6[%mul3A_2, %dma_wait3A_250] : memref<160000x128xi32, #tpu.memory_space<hbm>> -> memref<40x64xi32, #tpu.memory_space<hbm>>
          tpu.wait_dma2 semaphore(%arg25 : memref<!tpu.dma_semaphore, #tpu.memory_space<semaphore_mem>>) src(%arg9 : memref<40x64xi32, #tpu.memory_space<vmem>>) dst(%dma_wait3A_251 : memref<40x64xi32, #tpu.memory_space<hbm>>)
          %dma_wait3A_252 = arith.constant 64 : i32
          %dma_wait3A_253 = tpu.memref_slice %arg6[%mul3A_2, %dma_wait3A_252] : memref<160000x128xi32, #tpu.memory_space<hbm>> -> memref<40x64xi32, #tpu.memory_space<hbm>>
          %dma_wait3A_254 = arith.constant 64 : i32
          %dma_wait3A_255 = tpu.memref_slice %arg6[%mul3A_2, %dma_wait3A_254] : memref<160000x128xi32, #tpu.memory_space<hbm>> -> memref<40x64xi32, #tpu.memory_space<hbm>>
          tpu.wait_dma2 semaphore(%arg25 : memref<!tpu.dma_semaphore, #tpu.memory_space<semaphore_mem>>) src(%arg13 : memref<40x64xi32, #tpu.memory_space<vmem>>) dst(%dma_wait3A_255 : memref<40x64xi32, #tpu.memory_space<hbm>>)
        } else {
        }
        %dma_start3A_236 = arith.constant 0 : i32
        %dma_start3A_237 = tpu.memref_slice %arg7[%add3A_165, %dma_start3A_236] : memref<125x40xi32, #tpu.memory_space<vmem>> -> memref<1x40xi32, #tpu.memory_space<vmem>>
        %dma_start3A_238 = tpu.memref_squeeze %dma_start3A_237 : memref<1x40xi32, #tpu.memory_space<vmem>> -> memref<40xi32, #tpu.memory_space<vmem>>
        %dma_start3A_239 = arith.constant 0 : i32
        %dma_start3A_240 = arith.constant 0 : i32
        %dma_start3A_241 = tpu.memref_slice %arg2[%dma_start3A_239, %dma_start3A_240] : memref<10000x64xi32, #tpu.memory_space<hbm>> -> memref<10000x64xi32, #tpu.memory_space<hbm>>
        tpu.enqueue_indirect_dma source(%dma_start3A_241 : memref<10000x64xi32, #tpu.memory_space<hbm>>) target(%arg9 : memref<40x64xi32, #tpu.memory_space<vmem>>) offsets(%dma_start3A_238 : memref<40xi32, #tpu.memory_space<vmem>>) semaphore(%arg17 : memref<!tpu.dma_semaphore, #tpu.memory_space<semaphore_mem>>)
        %dma_start3A_242 = arith.constant 0 : i32
        %dma_start3A_243 = tpu.memref_slice %arg8[%add3A_165, %dma_start3A_242] : memref<125x40xi32, #tpu.memory_space<vmem>> -> memref<1x40xi32, #tpu.memory_space<vmem>>
        %dma_start3A_244 = tpu.memref_squeeze %dma_start3A_243 : memref<1x40xi32, #tpu.memory_space<vmem>> -> memref<40xi32, #tpu.memory_space<vmem>>
        %dma_start3A_245 = arith.constant 0 : i32
        %dma_start3A_246 = arith.constant 0 : i32
        %dma_start3A_247 = tpu.memref_slice %arg3[%dma_start3A_245, %dma_start3A_246] : memref<10000x64xi32, #tpu.memory_space<hbm>> -> memref<10000x64xi32, #tpu.memory_space<hbm>>
        tpu.enqueue_indirect_dma source(%dma_start3A_247 : memref<10000x64xi32, #tpu.memory_space<hbm>>) target(%arg13 : memref<40x64xi32, #tpu.memory_space<vmem>>) offsets(%dma_start3A_244 : memref<40xi32, #tpu.memory_space<vmem>>) semaphore(%arg21 : memref<!tpu.dma_semaphore, #tpu.memory_space<semaphore_mem>>)
      } else {
      }
      %dma_wait3A_171 = arith.constant 0 : i32
      %dma_wait3A_172 = arith.constant 0 : i32
      %dma_wait3A_173 = tpu.memref_slice %arg7[%dma_wait3A_171, %dma_wait3A_172] : memref<125x40xi32, #tpu.memory_space<vmem>> -> memref<1x40xi32, #tpu.memory_space<vmem>>
      %dma_wait3A_174 = tpu.memref_squeeze %dma_wait3A_173 : memref<1x40xi32, #tpu.memory_space<vmem>> -> memref<40xi32, #tpu.memory_space<vmem>>
      %dma_wait3A_175 = arith.constant 0 : i32
      %dma_wait3A_176 = arith.constant 0 : i32
      %dma_wait3A_177 = tpu.memref_slice %arg2[%dma_wait3A_175, %dma_wait3A_176] : memref<10000x64xi32, #tpu.memory_space<hbm>> -> memref<10000x64xi32, #tpu.memory_space<hbm>>
      tpu.wait_indirect_dma semaphore(%arg19 : memref<!tpu.dma_semaphore, #tpu.memory_space<semaphore_mem>>) src(%dma_wait3A_177 : memref<10000x64xi32, #tpu.memory_space<hbm>>) dst(%arg11 : memref<40x64xi32, #tpu.memory_space<vmem>>)
      %dma_wait3A_178 = arith.constant 0 : i32
      %dma_wait3A_179 = arith.constant 0 : i32
      %dma_wait3A_180 = tpu.memref_slice %arg8[%dma_wait3A_178, %dma_wait3A_179] : memref<125x40xi32, #tpu.memory_space<vmem>> -> memref<1x40xi32, #tpu.memory_space<vmem>>
      %dma_wait3A_181 = tpu.memref_squeeze %dma_wait3A_180 : memref<1x40xi32, #tpu.memory_space<vmem>> -> memref<40xi32, #tpu.memory_space<vmem>>
      %dma_wait3A_182 = arith.constant 0 : i32
      %dma_wait3A_183 = arith.constant 0 : i32
      %dma_wait3A_184 = tpu.memref_slice %arg3[%dma_wait3A_182, %dma_wait3A_183] : memref<10000x64xi32, #tpu.memory_space<hbm>> -> memref<10000x64xi32, #tpu.memory_space<hbm>>
      tpu.wait_indirect_dma semaphore(%arg23 : memref<!tpu.dma_semaphore, #tpu.memory_space<semaphore_mem>>) src(%dma_wait3A_184 : memref<10000x64xi32, #tpu.memory_space<hbm>>) dst(%arg15 : memref<40x64xi32, #tpu.memory_space<vmem>>)
      %mul3A_185 = arith.constant 40 : i32
      %mul3A_186 = arith.muli %add3A_163, %mul3A_185 : i32
      %add3A_187 = arith.addi %mul3A_2, %mul3A_186 : i32
      %dma_start3A_188 = arith.constant 0 : i32
      %dma_start3A_189 = tpu.memref_slice %arg6[%add3A_187, %dma_start3A_188] : memref<160000x128xi32, #tpu.memory_space<hbm>> -> memref<40x64xi32, #tpu.memory_space<hbm>>
      %dma_start3A_190 = arith.constant 0 : i32
      %dma_start3A_191 = tpu.memref_slice %arg6[%add3A_187, %dma_start3A_190] : memref<160000x128xi32, #tpu.memory_space<hbm>> -> memref<40x64xi32, #tpu.memory_space<hbm>>
      tpu.enqueue_dma source(%arg11 : memref<40x64xi32, #tpu.memory_space<vmem>>) target(%dma_start3A_191 : memref<40x64xi32, #tpu.memory_space<hbm>>) target_semaphore(%arg27 : memref<!tpu.dma_semaphore, #tpu.memory_space<semaphore_mem>>)
      %dma_start3A_192 = arith.constant 64 : i32
      %dma_start3A_193 = tpu.memref_slice %arg6[%add3A_187, %dma_start3A_192] : memref<160000x128xi32, #tpu.memory_space<hbm>> -> memref<40x64xi32, #tpu.memory_space<hbm>>
      %dma_start3A_194 = arith.constant 64 : i32
      %dma_start3A_195 = tpu.memref_slice %arg6[%add3A_187, %dma_start3A_194] : memref<160000x128xi32, #tpu.memory_space<hbm>> -> memref<40x64xi32, #tpu.memory_space<hbm>>
      tpu.enqueue_dma source(%arg15 : memref<40x64xi32, #tpu.memory_space<vmem>>) target(%dma_start3A_195 : memref<40x64xi32, #tpu.memory_space<hbm>>) target_semaphore(%arg27 : memref<!tpu.dma_semaphore, #tpu.memory_space<semaphore_mem>>)
      %mul3A_196 = arith.constant 4 : i32
      %mul3A_197 = arith.muli %mul3A_196, %scan3A_90 : i32
      %add3A_198 = arith.constant 3 : i32
      %add3A_199 = arith.addi %mul3A_197, %add3A_198 : i32
      %add3A_200 = arith.constant 2 : i32
      %add3A_201 = arith.addi %add3A_199, %add3A_200 : i32
      %lt3A_202 = arith.constant 125 : i32
      %lt3A_203 = arith.cmpi slt, %add3A_201, %lt3A_202 : i32
      %convert_element_type3A_204 = arith.extui %lt3A_203 : i1 to i32
      %cond3A_205 = arith.constant 0 : i32
      %cond3A_206 = arith.cmpi ne, %convert_element_type3A_204, %cond3A_205 : i32
      scf.if %cond3A_206 {
        %ge3A = arith.constant 2 : i32
        %ge3A_232 = arith.cmpi sge, %add3A_199, %ge3A : i32
        %convert_element_type3A_233 = arith.extui %ge3A_232 : i1 to i32
        %cond3A_234 = arith.constant 0 : i32
        %cond3A_235 = arith.cmpi ne, %convert_element_type3A_233, %cond3A_234 : i32
        scf.if %cond3A_235 {
          %dma_wait3A_248 = arith.constant 0 : i32
          %dma_wait3A_249 = tpu.memref_slice %arg6[%mul3A_2, %dma_wait3A_248] : memref<160000x128xi32, #tpu.memory_space<hbm>> -> memref<40x64xi32, #tpu.memory_space<hbm>>
          %dma_wait3A_250 = arith.constant 0 : i32
          %dma_wait3A_251 = tpu.memref_slice %arg6[%mul3A_2, %dma_wait3A_250] : memref<160000x128xi32, #tpu.memory_space<hbm>> -> memref<40x64xi32, #tpu.memory_space<hbm>>
          tpu.wait_dma2 semaphore(%arg26 : memref<!tpu.dma_semaphore, #tpu.memory_space<semaphore_mem>>) src(%arg10 : memref<40x64xi32, #tpu.memory_space<vmem>>) dst(%dma_wait3A_251 : memref<40x64xi32, #tpu.memory_space<hbm>>)
          %dma_wait3A_252 = arith.constant 64 : i32
          %dma_wait3A_253 = tpu.memref_slice %arg6[%mul3A_2, %dma_wait3A_252] : memref<160000x128xi32, #tpu.memory_space<hbm>> -> memref<40x64xi32, #tpu.memory_space<hbm>>
          %dma_wait3A_254 = arith.constant 64 : i32
          %dma_wait3A_255 = tpu.memref_slice %arg6[%mul3A_2, %dma_wait3A_254] : memref<160000x128xi32, #tpu.memory_space<hbm>> -> memref<40x64xi32, #tpu.memory_space<hbm>>
          tpu.wait_dma2 semaphore(%arg26 : memref<!tpu.dma_semaphore, #tpu.memory_space<semaphore_mem>>) src(%arg14 : memref<40x64xi32, #tpu.memory_space<vmem>>) dst(%dma_wait3A_255 : memref<40x64xi32, #tpu.memory_space<hbm>>)
        } else {
        }
        %dma_start3A_236 = arith.constant 0 : i32
        %dma_start3A_237 = tpu.memref_slice %arg7[%add3A_201, %dma_start3A_236] : memref<125x40xi32, #tpu.memory_space<vmem>> -> memref<1x40xi32, #tpu.memory_space<vmem>>
        %dma_start3A_238 = tpu.memref_squeeze %dma_start3A_237 : memref<1x40xi32, #tpu.memory_space<vmem>> -> memref<40xi32, #tpu.memory_space<vmem>>
        %dma_start3A_239 = arith.constant 0 : i32
        %dma_start3A_240 = arith.constant 0 : i32
        %dma_start3A_241 = tpu.memref_slice %arg2[%dma_start3A_239, %dma_start3A_240] : memref<10000x64xi32, #tpu.memory_space<hbm>> -> memref<10000x64xi32, #tpu.memory_space<hbm>>
        tpu.enqueue_indirect_dma source(%dma_start3A_241 : memref<10000x64xi32, #tpu.memory_space<hbm>>) target(%arg10 : memref<40x64xi32, #tpu.memory_space<vmem>>) offsets(%dma_start3A_238 : memref<40xi32, #tpu.memory_space<vmem>>) semaphore(%arg18 : memref<!tpu.dma_semaphore, #tpu.memory_space<semaphore_mem>>)
        %dma_start3A_242 = arith.constant 0 : i32
        %dma_start3A_243 = tpu.memref_slice %arg8[%add3A_201, %dma_start3A_242] : memref<125x40xi32, #tpu.memory_space<vmem>> -> memref<1x40xi32, #tpu.memory_space<vmem>>
        %dma_start3A_244 = tpu.memref_squeeze %dma_start3A_243 : memref<1x40xi32, #tpu.memory_space<vmem>> -> memref<40xi32, #tpu.memory_space<vmem>>
        %dma_start3A_245 = arith.constant 0 : i32
        %dma_start3A_246 = arith.constant 0 : i32
        %dma_start3A_247 = tpu.memref_slice %arg3[%dma_start3A_245, %dma_start3A_246] : memref<10000x64xi32, #tpu.memory_space<hbm>> -> memref<10000x64xi32, #tpu.memory_space<hbm>>
        tpu.enqueue_indirect_dma source(%dma_start3A_247 : memref<10000x64xi32, #tpu.memory_space<hbm>>) target(%arg14 : memref<40x64xi32, #tpu.memory_space<vmem>>) offsets(%dma_start3A_244 : memref<40xi32, #tpu.memory_space<vmem>>) semaphore(%arg22 : memref<!tpu.dma_semaphore, #tpu.memory_space<semaphore_mem>>)
      } else {
      }
      %dma_wait3A_207 = arith.constant 0 : i32
      %dma_wait3A_208 = arith.constant 0 : i32
      %dma_wait3A_209 = tpu.memref_slice %arg7[%dma_wait3A_207, %dma_wait3A_208] : memref<125x40xi32, #tpu.memory_space<vmem>> -> memref<1x40xi32, #tpu.memory_space<vmem>>
      %dma_wait3A_210 = tpu.memref_squeeze %dma_wait3A_209 : memref<1x40xi32, #tpu.memory_space<vmem>> -> memref<40xi32, #tpu.memory_space<vmem>>
      %dma_wait3A_211 = arith.constant 0 : i32
      %dma_wait3A_212 = arith.constant 0 : i32
      %dma_wait3A_213 = tpu.memref_slice %arg2[%dma_wait3A_211, %dma_wait3A_212] : memref<10000x64xi32, #tpu.memory_space<hbm>> -> memref<10000x64xi32, #tpu.memory_space<hbm>>
      tpu.wait_indirect_dma semaphore(%arg20 : memref<!tpu.dma_semaphore, #tpu.memory_space<semaphore_mem>>) src(%dma_wait3A_213 : memref<10000x64xi32, #tpu.memory_space<hbm>>) dst(%arg12 : memref<40x64xi32, #tpu.memory_space<vmem>>)
      %dma_wait3A_214 = arith.constant 0 : i32
      %dma_wait3A_215 = arith.constant 0 : i32
      %dma_wait3A_216 = tpu.memref_slice %arg8[%dma_wait3A_214, %dma_wait3A_215] : memref<125x40xi32, #tpu.memory_space<vmem>> -> memref<1x40xi32, #tpu.memory_space<vmem>>
      %dma_wait3A_217 = tpu.memref_squeeze %dma_wait3A_216 : memref<1x40xi32, #tpu.memory_space<vmem>> -> memref<40xi32, #tpu.memory_space<vmem>>
      %dma_wait3A_218 = arith.constant 0 : i32
      %dma_wait3A_219 = arith.constant 0 : i32
      %dma_wait3A_220 = tpu.memref_slice %arg3[%dma_wait3A_218, %dma_wait3A_219] : memref<10000x64xi32, #tpu.memory_space<hbm>> -> memref<10000x64xi32, #tpu.memory_space<hbm>>
      tpu.wait_indirect_dma semaphore(%arg24 : memref<!tpu.dma_semaphore, #tpu.memory_space<semaphore_mem>>) src(%dma_wait3A_220 : memref<10000x64xi32, #tpu.memory_space<hbm>>) dst(%arg16 : memref<40x64xi32, #tpu.memory_space<vmem>>)
      %mul3A_221 = arith.constant 40 : i32
      %mul3A_222 = arith.muli %add3A_199, %mul3A_221 : i32
      %add3A_223 = arith.addi %mul3A_2, %mul3A_222 : i32
      %dma_start3A_224 = arith.constant 0 : i32
      %dma_start3A_225 = tpu.memref_slice %arg6[%add3A_223, %dma_start3A_224] : memref<160000x128xi32, #tpu.memory_space<hbm>> -> memref<40x64xi32, #tpu.memory_space<hbm>>
      %dma_start3A_226 = arith.constant 0 : i32
      %dma_start3A_227 = tpu.memref_slice %arg6[%add3A_223, %dma_start3A_226] : memref<160000x128xi32, #tpu.memory_space<hbm>> -> memref<40x64xi32, #tpu.memory_space<hbm>>
      tpu.enqueue_dma source(%arg12 : memref<40x64xi32, #tpu.memory_space<vmem>>) target(%dma_start3A_227 : memref<40x64xi32, #tpu.memory_space<hbm>>) target_semaphore(%arg28 : memref<!tpu.dma_semaphore, #tpu.memory_space<semaphore_mem>>)
      %dma_start3A_228 = arith.constant 64 : i32
      %dma_start3A_229 = tpu.memref_slice %arg6[%add3A_223, %dma_start3A_228] : memref<160000x128xi32, #tpu.memory_space<hbm>> -> memref<40x64xi32, #tpu.memory_space<hbm>>
      %dma_start3A_230 = arith.constant 64 : i32
      %dma_start3A_231 = tpu.memref_slice %arg6[%add3A_223, %dma_start3A_230] : memref<160000x128xi32, #tpu.memory_space<hbm>> -> memref<40x64xi32, #tpu.memory_space<hbm>>
      tpu.enqueue_dma source(%arg16 : memref<40x64xi32, #tpu.memory_space<vmem>>) target(%dma_start3A_231 : memref<40x64xi32, #tpu.memory_space<hbm>>) target_semaphore(%arg28 : memref<!tpu.dma_semaphore, #tpu.memory_space<semaphore_mem>>)
    }
    %scan3A_34 = arith.constant 31 : i32
    %dma_wait3A = arith.constant 0 : i32
    %dma_wait3A_35 = arith.constant 0 : i32
    %dma_wait3A_36 = tpu.memref_slice %arg7[%dma_wait3A, %dma_wait3A_35] : memref<125x40xi32, #tpu.memory_space<vmem>> -> memref<1x40xi32, #tpu.memory_space<vmem>>
    %dma_wait3A_37 = tpu.memref_squeeze %dma_wait3A_36 : memref<1x40xi32, #tpu.memory_space<vmem>> -> memref<40xi32, #tpu.memory_space<vmem>>
    %dma_wait3A_38 = arith.constant 0 : i32
    %dma_wait3A_39 = arith.constant 0 : i32
    %dma_wait3A_40 = tpu.memref_slice %arg2[%dma_wait3A_38, %dma_wait3A_39] : memref<10000x64xi32, #tpu.memory_space<hbm>> -> memref<10000x64xi32, #tpu.memory_space<hbm>>
    tpu.wait_indirect_dma semaphore(%arg17 : memref<!tpu.dma_semaphore, #tpu.memory_space<semaphore_mem>>) src(%dma_wait3A_40 : memref<10000x64xi32, #tpu.memory_space<hbm>>) dst(%arg9 : memref<40x64xi32, #tpu.memory_space<vmem>>)
    %dma_wait3A_41 = arith.constant 0 : i32
    %dma_wait3A_42 = arith.constant 0 : i32
    %dma_wait3A_43 = tpu.memref_slice %arg8[%dma_wait3A_41, %dma_wait3A_42] : memref<125x40xi32, #tpu.memory_space<vmem>> -> memref<1x40xi32, #tpu.memory_space<vmem>>
    %dma_wait3A_44 = tpu.memref_squeeze %dma_wait3A_43 : memref<1x40xi32, #tpu.memory_space<vmem>> -> memref<40xi32, #tpu.memory_space<vmem>>
    %dma_wait3A_45 = arith.constant 0 : i32
    %dma_wait3A_46 = arith.constant 0 : i32
    %dma_wait3A_47 = tpu.memref_slice %arg3[%dma_wait3A_45, %dma_wait3A_46] : memref<10000x64xi32, #tpu.memory_space<hbm>> -> memref<10000x64xi32, #tpu.memory_space<hbm>>
    tpu.wait_indirect_dma semaphore(%arg21 : memref<!tpu.dma_semaphore, #tpu.memory_space<semaphore_mem>>) src(%dma_wait3A_47 : memref<10000x64xi32, #tpu.memory_space<hbm>>) dst(%arg13 : memref<40x64xi32, #tpu.memory_space<vmem>>)
    %add3A_48 = arith.constant 4960 : i32
    %add3A_49 = arith.addi %mul3A_2, %add3A_48 : i32
    %dma_start3A_50 = arith.constant 0 : i32
    %dma_start3A_51 = tpu.memref_slice %arg6[%add3A_49, %dma_start3A_50] : memref<160000x128xi32, #tpu.memory_space<hbm>> -> memref<40x64xi32, #tpu.memory_space<hbm>>
    %dma_start3A_52 = arith.constant 0 : i32
    %dma_start3A_53 = tpu.memref_slice %arg6[%add3A_49, %dma_start3A_52] : memref<160000x128xi32, #tpu.memory_space<hbm>> -> memref<40x64xi32, #tpu.memory_space<hbm>>
    tpu.enqueue_dma source(%arg9 : memref<40x64xi32, #tpu.memory_space<vmem>>) target(%dma_start3A_53 : memref<40x64xi32, #tpu.memory_space<hbm>>) target_semaphore(%arg25 : memref<!tpu.dma_semaphore, #tpu.memory_space<semaphore_mem>>)
    %dma_start3A_54 = arith.constant 64 : i32
    %dma_start3A_55 = tpu.memref_slice %arg6[%add3A_49, %dma_start3A_54] : memref<160000x128xi32, #tpu.memory_space<hbm>> -> memref<40x64xi32, #tpu.memory_space<hbm>>
    %dma_start3A_56 = arith.constant 64 : i32
    %dma_start3A_57 = tpu.memref_slice %arg6[%add3A_49, %dma_start3A_56] : memref<160000x128xi32, #tpu.memory_space<hbm>> -> memref<40x64xi32, #tpu.memory_space<hbm>>
    tpu.enqueue_dma source(%arg13 : memref<40x64xi32, #tpu.memory_space<vmem>>) target(%dma_start3A_57 : memref<40x64xi32, #tpu.memory_space<hbm>>) target_semaphore(%arg25 : memref<!tpu.dma_semaphore, #tpu.memory_space<semaphore_mem>>)
    %dma_wait3A_58 = arith.constant 0 : i32
    %dma_wait3A_59 = tpu.memref_slice %arg6[%mul3A_2, %dma_wait3A_58] : memref<160000x128xi32, #tpu.memory_space<hbm>> -> memref<40x64xi32, #tpu.memory_space<hbm>>
    %dma_wait3A_60 = arith.constant 0 : i32
    %dma_wait3A_61 = tpu.memref_slice %arg6[%mul3A_2, %dma_wait3A_60] : memref<160000x128xi32, #tpu.memory_space<hbm>> -> memref<40x64xi32, #tpu.memory_space<hbm>>
    tpu.wait_dma2 semaphore(%arg25 : memref<!tpu.dma_semaphore, #tpu.memory_space<semaphore_mem>>) src(%arg9 : memref<40x64xi32, #tpu.memory_space<vmem>>) dst(%dma_wait3A_61 : memref<40x64xi32, #tpu.memory_space<hbm>>)
    %dma_wait3A_62 = arith.constant 64 : i32
    %dma_wait3A_63 = tpu.memref_slice %arg6[%mul3A_2, %dma_wait3A_62] : memref<160000x128xi32, #tpu.memory_space<hbm>> -> memref<40x64xi32, #tpu.memory_space<hbm>>
    %dma_wait3A_64 = arith.constant 64 : i32
    %dma_wait3A_65 = tpu.memref_slice %arg6[%mul3A_2, %dma_wait3A_64] : memref<160000x128xi32, #tpu.memory_space<hbm>> -> memref<40x64xi32, #tpu.memory_space<hbm>>
    tpu.wait_dma2 semaphore(%arg25 : memref<!tpu.dma_semaphore, #tpu.memory_space<semaphore_mem>>) src(%arg13 : memref<40x64xi32, #tpu.memory_space<vmem>>) dst(%dma_wait3A_65 : memref<40x64xi32, #tpu.memory_space<hbm>>)
    %dma_wait3A_66 = arith.constant 0 : i32
    %dma_wait3A_67 = tpu.memref_slice %arg6[%mul3A_2, %dma_wait3A_66] : memref<160000x128xi32, #tpu.memory_space<hbm>> -> memref<40x64xi32, #tpu.memory_space<hbm>>
    %dma_wait3A_68 = arith.constant 0 : i32
    %dma_wait3A_69 = tpu.memref_slice %arg6[%mul3A_2, %dma_wait3A_68] : memref<160000x128xi32, #tpu.memory_space<hbm>> -> memref<40x64xi32, #tpu.memory_space<hbm>>
    tpu.wait_dma2 semaphore(%arg26 : memref<!tpu.dma_semaphore, #tpu.memory_space<semaphore_mem>>) src(%arg10 : memref<40x64xi32, #tpu.memory_space<vmem>>) dst(%dma_wait3A_69 : memref<40x64xi32, #tpu.memory_space<hbm>>)
    %dma_wait3A_70 = arith.constant 64 : i32
    %dma_wait3A_71 = tpu.memref_slice %arg6[%mul3A_2, %dma_wait3A_70] : memref<160000x128xi32, #tpu.memory_space<hbm>> -> memref<40x64xi32, #tpu.memory_space<hbm>>
    %dma_wait3A_72 = arith.constant 64 : i32
    %dma_wait3A_73 = tpu.memref_slice %arg6[%mul3A_2, %dma_wait3A_72] : memref<160000x128xi32, #tpu.memory_space<hbm>> -> memref<40x64xi32, #tpu.memory_space<hbm>>
    tpu.wait_dma2 semaphore(%arg26 : memref<!tpu.dma_semaphore, #tpu.memory_space<semaphore_mem>>) src(%arg14 : memref<40x64xi32, #tpu.memory_space<vmem>>) dst(%dma_wait3A_73 : memref<40x64xi32, #tpu.memory_space<hbm>>)
    %dma_wait3A_74 = arith.constant 0 : i32
    %dma_wait3A_75 = tpu.memref_slice %arg6[%mul3A_2, %dma_wait3A_74] : memref<160000x128xi32, #tpu.memory_space<hbm>> -> memref<40x64xi32, #tpu.memory_space<hbm>>
    %dma_wait3A_76 = arith.constant 0 : i32
    %dma_wait3A_77 = tpu.memref_slice %arg6[%mul3A_2, %dma_wait3A_76] : memref<160000x128xi32, #tpu.memory_space<hbm>> -> memref<40x64xi32, #tpu.memory_space<hbm>>
    tpu.wait_dma2 semaphore(%arg27 : memref<!tpu.dma_semaphore, #tpu.memory_space<semaphore_mem>>) src(%arg11 : memref<40x64xi32, #tpu.memory_space<vmem>>) dst(%dma_wait3A_77 : memref<40x64xi32, #tpu.memory_space<hbm>>)
    %dma_wait3A_78 = arith.constant 64 : i32
    %dma_wait3A_79 = tpu.memref_slice %arg6[%mul3A_2, %dma_wait3A_78] : memref<160000x128xi32, #tpu.memory_space<hbm>> -> memref<40x64xi32, #tpu.memory_space<hbm>>
    %dma_wait3A_80 = arith.constant 64 : i32
    %dma_wait3A_81 = tpu.memref_slice %arg6[%mul3A_2, %dma_wait3A_80] : memref<160000x128xi32, #tpu.memory_space<hbm>> -> memref<40x64xi32, #tpu.memory_space<hbm>>
    tpu.wait_dma2 semaphore(%arg27 : memref<!tpu.dma_semaphore, #tpu.memory_space<semaphore_mem>>) src(%arg15 : memref<40x64xi32, #tpu.memory_space<vmem>>) dst(%dma_wait3A_81 : memref<40x64xi32, #tpu.memory_space<hbm>>)
    %dma_wait3A_82 = arith.constant 0 : i32
    %dma_wait3A_83 = tpu.memref_slice %arg6[%mul3A_2, %dma_wait3A_82] : memref<160000x128xi32, #tpu.memory_space<hbm>> -> memref<40x64xi32, #tpu.memory_space<hbm>>
    %dma_wait3A_84 = arith.constant 0 : i32
    %dma_wait3A_85 = tpu.memref_slice %arg6[%mul3A_2, %dma_wait3A_84] : memref<160000x128xi32, #tpu.memory_space<hbm>> -> memref<40x64xi32, #tpu.memory_space<hbm>>
    tpu.wait_dma2 semaphore(%arg28 : memref<!tpu.dma_semaphore, #tpu.memory_space<semaphore_mem>>) src(%arg12 : memref<40x64xi32, #tpu.memory_space<vmem>>) dst(%dma_wait3A_85 : memref<40x64xi32, #tpu.memory_space<hbm>>)
    %dma_wait3A_86 = arith.constant 64 : i32
    %dma_wait3A_87 = tpu.memref_slice %arg6[%mul3A_2, %dma_wait3A_86] : memref<160000x128xi32, #tpu.memory_space<hbm>> -> memref<40x64xi32, #tpu.memory_space<hbm>>
    %dma_wait3A_88 = arith.constant 64 : i32
    %dma_wait3A_89 = tpu.memref_slice %arg6[%mul3A_2, %dma_wait3A_88] : memref<160000x128xi32, #tpu.memory_space<hbm>> -> memref<40x64xi32, #tpu.memory_space<hbm>>
    tpu.wait_dma2 semaphore(%arg28 : memref<!tpu.dma_semaphore, #tpu.memory_space<semaphore_mem>>) src(%arg16 : memref<40x64xi32, #tpu.memory_space<vmem>>) dst(%dma_wait3A_89 : memref<40x64xi32, #tpu.memory_space<hbm>>)
    return
  }
}

#map = affine_map<(d0, d1) -> (0, 0)>
#map1 = affine_map<(d0, d1) -> (0, 0, 0)>
module attributes {stable_mosaic.version = 14 : i64} {
  func.func @_gather_body(%arg0: i32, %arg1: i32, %arg2: memref<10000x64xi32, #tpu.memory_space<hbm>>, %arg3: memref<10000x64xi32, #tpu.memory_space<hbm>>, %arg4: memref<32x125x40xi32, #tpu.memory_space<hbm>>, %arg5: memref<32x125x40xi32, #tpu.memory_space<hbm>>, %arg6: memref<160000x128xi32, #tpu.memory_space<hbm>>, %arg7: memref<125x40xi32, #tpu.memory_space<vmem>>, %arg8: memref<125x40xi32, #tpu.memory_space<vmem>>, %arg9: memref<40x64xi32, #tpu.memory_space<vmem>>, %arg10: memref<40x64xi32, #tpu.memory_space<vmem>>, %arg11: memref<40x64xi32, #tpu.memory_space<vmem>>, %arg12: memref<40x64xi32, #tpu.memory_space<vmem>>, %arg13: memref<40x64xi32, #tpu.memory_space<vmem>>, %arg14: memref<40x64xi32, #tpu.memory_space<vmem>>, %arg15: memref<40x64xi32, #tpu.memory_space<vmem>>, %arg16: memref<40x64xi32, #tpu.memory_space<vmem>>, %arg17: memref<!tpu.dma_semaphore, #tpu.memory_space<semaphore_mem>>, %arg18: memref<!tpu.dma_semaphore, #tpu.memory_space<semaphore_mem>>, %arg19: memref<!tpu.dma_semaphore, #tpu.memory_space<semaphore_mem>>, %arg20: memref<!tpu.dma_semaphore, #tpu.memory_space<semaphore_mem>>, %arg21: memref<!tpu.dma_semaphore, #tpu.memory_space<semaphore_mem>>, %arg22: memref<!tpu.dma_semaphore, #tpu.memory_space<semaphore_mem>>, %arg23: memref<!tpu.dma_semaphore, #tpu.memory_space<semaphore_mem>>, %arg24: memref<!tpu.dma_semaphore, #tpu.memory_space<semaphore_mem>>, %arg25: memref<!tpu.dma_semaphore, #tpu.memory_space<semaphore_mem>>, %arg26: memref<!tpu.dma_semaphore, #tpu.memory_space<semaphore_mem>>, %arg27: memref<!tpu.dma_semaphore, #tpu.memory_space<semaphore_mem>>, %arg28: memref<!tpu.dma_semaphore, #tpu.memory_space<semaphore_mem>>) attributes {dimension_semantics = [#tpu.dimension_semantics<core_parallel>, #tpu.dimension_semantics<subcore_parallel>], iteration_bounds = array<i64: 2, 16>, scalar_prefetch = 0 : i64, scratch_operands = 22 : i64, tpu.core_type = #tpu.core_type<sc_vector_subcore>, window_params = [{transform_indices = #map}, {transform_indices = #map}, {transform_indices = #map1}, {transform_indices = #map1}, {transform_indices = #map}]} {
    %mul3A = arith.constant 2 : i32
    %mul3A_0 = arith.muli %arg1, %mul3A : i32
    %add3A = arith.addi %mul3A_0, %arg0 : i32
    %mul3A_1 = arith.constant 5000 : i32
    %mul3A_2 = arith.muli %add3A, %mul3A_1 : i32
    "tpu.region"() ({
      %run_scoped3A = tpu.sem_alloc : memref<!tpu.dma_semaphore, #tpu.memory_space<semaphore_mem>>
      %dma_start3A_90 = arith.constant 0 : i32
      %dma_start3A_91 = arith.constant 0 : i32
      %dma_start3A_92 = tpu.memref_slice %arg4[%add3A, %dma_start3A_90, %dma_start3A_91] : memref<32x125x40xi32, #tpu.memory_space<hbm>> -> memref<1x125x40xi32, #tpu.memory_space<hbm>>
      %dma_start3A_93 = tpu.memref_squeeze %dma_start3A_92 : memref<1x125x40xi32, #tpu.memory_space<hbm>> -> memref<125x40xi32, #tpu.memory_space<hbm>>
      %dma_start3A_94 = arith.constant 0 : i32
      %dma_start3A_95 = arith.constant 0 : i32
      %dma_start3A_96 = tpu.memref_slice %arg4[%add3A, %dma_start3A_94, %dma_start3A_95] : memref<32x125x40xi32, #tpu.memory_space<hbm>> -> memref<1x125x40xi32, #tpu.memory_space<hbm>>
      %dma_start3A_97 = tpu.memref_squeeze %dma_start3A_96 : memref<1x125x40xi32, #tpu.memory_space<hbm>> -> memref<125x40xi32, #tpu.memory_space<hbm>>
      tpu.enqueue_dma source(%dma_start3A_97 : memref<125x40xi32, #tpu.memory_space<hbm>>) target(%arg7 : memref<125x40xi32, #tpu.memory_space<vmem>>) target_semaphore(%run_scoped3A : memref<!tpu.dma_semaphore, #tpu.memory_space<semaphore_mem>>)
      %dma_wait3A_98 = arith.constant 0 : i32
      %dma_wait3A_99 = arith.constant 0 : i32
      %dma_wait3A_100 = tpu.memref_slice %arg4[%add3A, %dma_wait3A_98, %dma_wait3A_99] : memref<32x125x40xi32, #tpu.memory_space<hbm>> -> memref<1x125x40xi32, #tpu.memory_space<hbm>>
      %dma_wait3A_101 = tpu.memref_squeeze %dma_wait3A_100 : memref<1x125x40xi32, #tpu.memory_space<hbm>> -> memref<125x40xi32, #tpu.memory_space<hbm>>
      %dma_wait3A_102 = arith.constant 0 : i32
      %dma_wait3A_103 = arith.constant 0 : i32
      %dma_wait3A_104 = tpu.memref_slice %arg4[%add3A, %dma_wait3A_102, %dma_wait3A_103] : memref<32x125x40xi32, #tpu.memory_space<hbm>> -> memref<1x125x40xi32, #tpu.memory_space<hbm>>
      %dma_wait3A_105 = tpu.memref_squeeze %dma_wait3A_104 : memref<1x125x40xi32, #tpu.memory_space<hbm>> -> memref<125x40xi32, #tpu.memory_space<hbm>>
      tpu.wait_dma2 semaphore(%run_scoped3A : memref<!tpu.dma_semaphore, #tpu.memory_space<semaphore_mem>>) src(%dma_wait3A_105 : memref<125x40xi32, #tpu.memory_space<hbm>>) dst(%arg7 : memref<125x40xi32, #tpu.memory_space<vmem>>)
      tpu.yield
    }) : () -> ()
    "tpu.region"() ({
      %run_scoped3A = tpu.sem_alloc : memref<!tpu.dma_semaphore, #tpu.memory_space<semaphore_mem>>
      %dma_start3A_90 = arith.constant 0 : i32
      %dma_start3A_91 = arith.constant 0 : i32
      %dma_start3A_92 = tpu.memref_slice %arg5[%add3A, %dma_start3A_90, %dma_start3A_91] : memref<32x125x40xi32, #tpu.memory_space<hbm>> -> memref<1x125x40xi32, #tpu.memory_space<hbm>>
      %dma_start3A_93 = tpu.memref_squeeze %dma_start3A_92 : memref<1x125x40xi32, #tpu.memory_space<hbm>> -> memref<125x40xi32, #tpu.memory_space<hbm>>
      %dma_start3A_94 = arith.constant 0 : i32
      %dma_start3A_95 = arith.constant 0 : i32
      %dma_start3A_96 = tpu.memref_slice %arg5[%add3A, %dma_start3A_94, %dma_start3A_95] : memref<32x125x40xi32, #tpu.memory_space<hbm>> -> memref<1x125x40xi32, #tpu.memory_space<hbm>>
      %dma_start3A_97 = tpu.memref_squeeze %dma_start3A_96 : memref<1x125x40xi32, #tpu.memory_space<hbm>> -> memref<125x40xi32, #tpu.memory_space<hbm>>
      tpu.enqueue_dma source(%dma_start3A_97 : memref<125x40xi32, #tpu.memory_space<hbm>>) target(%arg8 : memref<125x40xi32, #tpu.memory_space<vmem>>) target_semaphore(%run_scoped3A : memref<!tpu.dma_semaphore, #tpu.memory_space<semaphore_mem>>)
      %dma_wait3A_98 = arith.constant 0 : i32
      %dma_wait3A_99 = arith.constant 0 : i32
      %dma_wait3A_100 = tpu.memref_slice %arg5[%add3A, %dma_wait3A_98, %dma_wait3A_99] : memref<32x125x40xi32, #tpu.memory_space<hbm>> -> memref<1x125x40xi32, #tpu.memory_space<hbm>>
      %dma_wait3A_101 = tpu.memref_squeeze %dma_wait3A_100 : memref<1x125x40xi32, #tpu.memory_space<hbm>> -> memref<125x40xi32, #tpu.memory_space<hbm>>
      %dma_wait3A_102 = arith.constant 0 : i32
      %dma_wait3A_103 = arith.constant 0 : i32
      %dma_wait3A_104 = tpu.memref_slice %arg5[%add3A, %dma_wait3A_102, %dma_wait3A_103] : memref<32x125x40xi32, #tpu.memory_space<hbm>> -> memref<1x125x40xi32, #tpu.memory_space<hbm>>
      %dma_wait3A_105 = tpu.memref_squeeze %dma_wait3A_104 : memref<1x125x40xi32, #tpu.memory_space<hbm>> -> memref<125x40xi32, #tpu.memory_space<hbm>>
      tpu.wait_dma2 semaphore(%run_scoped3A : memref<!tpu.dma_semaphore, #tpu.memory_space<semaphore_mem>>) src(%dma_wait3A_105 : memref<125x40xi32, #tpu.memory_space<hbm>>) dst(%arg8 : memref<125x40xi32, #tpu.memory_space<vmem>>)
      tpu.yield
    }) : () -> ()
    %dma_start3A = arith.constant 0 : i32
    %dma_start3A_3 = arith.constant 0 : i32
    %dma_start3A_4 = tpu.memref_slice %arg7[%dma_start3A, %dma_start3A_3] : memref<125x40xi32, #tpu.memory_space<vmem>> -> memref<1x40xi32, #tpu.memory_space<vmem>>
    %dma_start3A_5 = tpu.memref_squeeze %dma_start3A_4 : memref<1x40xi32, #tpu.memory_space<vmem>> -> memref<40xi32, #tpu.memory_space<vmem>>
    %dma_start3A_6 = arith.constant 0 : i32
    %dma_start3A_7 = arith.constant 0 : i32
    %dma_start3A_8 = tpu.memref_slice %arg2[%dma_start3A_6, %dma_start3A_7] : memref<10000x64xi32, #tpu.memory_space<hbm>> -> memref<10000x64xi32, #tpu.memory_space<hbm>>
    tpu.enqueue_indirect_dma source(%dma_start3A_8 : memref<10000x64xi32, #tpu.memory_space<hbm>>) target(%arg9 : memref<40x64xi32, #tpu.memory_space<vmem>>) offsets(%dma_start3A_5 : memref<40xi32, #tpu.memory_space<vmem>>) semaphore(%arg17 : memref<!tpu.dma_semaphore, #tpu.memory_space<semaphore_mem>>)
    %dma_start3A_9 = arith.constant 0 : i32
    %dma_start3A_10 = arith.constant 0 : i32
    %dma_start3A_11 = tpu.memref_slice %arg8[%dma_start3A_9, %dma_start3A_10] : memref<125x40xi32, #tpu.memory_space<vmem>> -> memref<1x40xi32, #tpu.memory_space<vmem>>
    %dma_start3A_12 = tpu.memref_squeeze %dma_start3A_11 : memref<1x40xi32, #tpu.memory_space<vmem>> -> memref<40xi32, #tpu.memory_space<vmem>>
    %dma_start3A_13 = arith.constant 0 : i32
    %dma_start3A_14 = arith.constant 0 : i32
    %dma_start3A_15 = tpu.memref_slice %arg3[%dma_start3A_13, %dma_start3A_14] : memref<10000x64xi32, #tpu.memory_space<hbm>> -> memref<10000x64xi32, #tpu.memory_space<hbm>>
    tpu.enqueue_indirect_dma source(%dma_start3A_15 : memref<10000x64xi32, #tpu.memory_space<hbm>>) target(%arg13 : memref<40x64xi32, #tpu.memory_space<vmem>>) offsets(%dma_start3A_12 : memref<40xi32, #tpu.memory_space<vmem>>) semaphore(%arg21 : memref<!tpu.dma_semaphore, #tpu.memory_space<semaphore_mem>>)
    %dma_start3A_16 = arith.constant 1 : i32
    %dma_start3A_17 = arith.constant 0 : i32
    %dma_start3A_18 = tpu.memref_slice %arg7[%dma_start3A_16, %dma_start3A_17] : memref<125x40xi32, #tpu.memory_space<vmem>> -> memref<1x40xi32, #tpu.memory_space<vmem>>
    %dma_start3A_19 = tpu.memref_squeeze %dma_start3A_18 : memref<1x40xi32, #tpu.memory_space<vmem>> -> memref<40xi32, #tpu.memory_space<vmem>>
    %dma_start3A_20 = arith.constant 0 : i32
    %dma_start3A_21 = arith.constant 0 : i32
    %dma_start3A_22 = tpu.memref_slice %arg2[%dma_start3A_20, %dma_start3A_21] : memref<10000x64xi32, #tpu.memory_space<hbm>> -> memref<10000x64xi32, #tpu.memory_space<hbm>>
    tpu.enqueue_indirect_dma source(%dma_start3A_22 : memref<10000x64xi32, #tpu.memory_space<hbm>>) target(%arg10 : memref<40x64xi32, #tpu.memory_space<vmem>>) offsets(%dma_start3A_19 : memref<40xi32, #tpu.memory_space<vmem>>) semaphore(%arg18 : memref<!tpu.dma_semaphore, #tpu.memory_space<semaphore_mem>>)
    %dma_start3A_23 = arith.constant 1 : i32
    %dma_start3A_24 = arith.constant 0 : i32
    %dma_start3A_25 = tpu.memref_slice %arg8[%dma_start3A_23, %dma_start3A_24] : memref<125x40xi32, #tpu.memory_space<vmem>> -> memref<1x40xi32, #tpu.memory_space<vmem>>
    %dma_start3A_26 = tpu.memref_squeeze %dma_start3A_25 : memref<1x40xi32, #tpu.memory_space<vmem>> -> memref<40xi32, #tpu.memory_space<vmem>>
    %dma_start3A_27 = arith.constant 0 : i32
    %dma_start3A_28 = arith.constant 0 : i32
    %dma_start3A_29 = tpu.memref_slice %arg3[%dma_start3A_27, %dma_start3A_28] : memref<10000x64xi32, #tpu.memory_space<hbm>> -> memref<10000x64xi32, #tpu.memory_space<hbm>>
    tpu.enqueue_indirect_dma source(%dma_start3A_29 : memref<10000x64xi32, #tpu.memory_space<hbm>>) target(%arg14 : memref<40x64xi32, #tpu.memory_space<vmem>>) offsets(%dma_start3A_26 : memref<40xi32, #tpu.memory_space<vmem>>) semaphore(%arg22 : memref<!tpu.dma_semaphore, #tpu.memory_space<semaphore_mem>>)
    %scan3A = arith.constant 0 : i32
    %scan3A_30 = arith.constant 0 : i32
    %scan3A_31 = arith.constant 31 : i32
    %scan3A_32 = arith.addi %scan3A_30, %scan3A_31 : i32
    %scan3A_33 = arith.constant 1 : i32
    scf.for %scan3A_90 = %scan3A_30 to %scan3A_32 step %scan3A_33  : i32 {
      %mul3A_91 = arith.constant 4 : i32
      %mul3A_92 = arith.muli %mul3A_91, %scan3A_90 : i32
      %add3A_93 = arith.constant 0 : i32
      %add3A_94 = arith.addi %mul3A_92, %add3A_93 : i32
      %add3A_95 = arith.constant 2 : i32
      %add3A_96 = arith.addi %add3A_94, %add3A_95 : i32
      %lt3A = arith.constant 125 : i32
      %lt3A_97 = arith.cmpi slt, %add3A_96, %lt3A : i32
      %convert_element_type3A = arith.extui %lt3A_97 : i1 to i32
      %cond3A = arith.constant 0 : i32
      %cond3A_98 = arith.cmpi ne, %convert_element_type3A, %cond3A : i32
      scf.if %cond3A_98 {
        %ge3A = arith.constant 2 : i32
        %ge3A_232 = arith.cmpi sge, %add3A_94, %ge3A : i32
        %convert_element_type3A_233 = arith.extui %ge3A_232 : i1 to i32
        %cond3A_234 = arith.constant 0 : i32
        %cond3A_235 = arith.cmpi ne, %convert_element_type3A_233, %cond3A_234 : i32
        scf.if %cond3A_235 {
          %dma_wait3A_248 = arith.constant 0 : i32
          %dma_wait3A_249 = tpu.memref_slice %arg6[%mul3A_2, %dma_wait3A_248] : memref<160000x128xi32, #tpu.memory_space<hbm>> -> memref<40x64xi32, #tpu.memory_space<hbm>>
          %dma_wait3A_250 = arith.constant 0 : i32
          %dma_wait3A_251 = tpu.memref_slice %arg6[%mul3A_2, %dma_wait3A_250] : memref<160000x128xi32, #tpu.memory_space<hbm>> -> memref<40x64xi32, #tpu.memory_space<hbm>>
          tpu.wait_dma2 semaphore(%arg27 : memref<!tpu.dma_semaphore, #tpu.memory_space<semaphore_mem>>) src(%arg11 : memref<40x64xi32, #tpu.memory_space<vmem>>) dst(%dma_wait3A_251 : memref<40x64xi32, #tpu.memory_space<hbm>>)
          %dma_wait3A_252 = arith.constant 64 : i32
          %dma_wait3A_253 = tpu.memref_slice %arg6[%mul3A_2, %dma_wait3A_252] : memref<160000x128xi32, #tpu.memory_space<hbm>> -> memref<40x64xi32, #tpu.memory_space<hbm>>
          %dma_wait3A_254 = arith.constant 64 : i32
          %dma_wait3A_255 = tpu.memref_slice %arg6[%mul3A_2, %dma_wait3A_254] : memref<160000x128xi32, #tpu.memory_space<hbm>> -> memref<40x64xi32, #tpu.memory_space<hbm>>
          tpu.wait_dma2 semaphore(%arg27 : memref<!tpu.dma_semaphore, #tpu.memory_space<semaphore_mem>>) src(%arg15 : memref<40x64xi32, #tpu.memory_space<vmem>>) dst(%dma_wait3A_255 : memref<40x64xi32, #tpu.memory_space<hbm>>)
        } else {
        }
        %dma_start3A_236 = arith.constant 0 : i32
        %dma_start3A_237 = tpu.memref_slice %arg7[%add3A_96, %dma_start3A_236] : memref<125x40xi32, #tpu.memory_space<vmem>> -> memref<1x40xi32, #tpu.memory_space<vmem>>
        %dma_start3A_238 = tpu.memref_squeeze %dma_start3A_237 : memref<1x40xi32, #tpu.memory_space<vmem>> -> memref<40xi32, #tpu.memory_space<vmem>>
        %dma_start3A_239 = arith.constant 0 : i32
        %dma_start3A_240 = arith.constant 0 : i32
        %dma_start3A_241 = tpu.memref_slice %arg2[%dma_start3A_239, %dma_start3A_240] : memref<10000x64xi32, #tpu.memory_space<hbm>> -> memref<10000x64xi32, #tpu.memory_space<hbm>>
        tpu.enqueue_indirect_dma source(%dma_start3A_241 : memref<10000x64xi32, #tpu.memory_space<hbm>>) target(%arg11 : memref<40x64xi32, #tpu.memory_space<vmem>>) offsets(%dma_start3A_238 : memref<40xi32, #tpu.memory_space<vmem>>) semaphore(%arg19 : memref<!tpu.dma_semaphore, #tpu.memory_space<semaphore_mem>>)
        %dma_start3A_242 = arith.constant 0 : i32
        %dma_start3A_243 = tpu.memref_slice %arg8[%add3A_96, %dma_start3A_242] : memref<125x40xi32, #tpu.memory_space<vmem>> -> memref<1x40xi32, #tpu.memory_space<vmem>>
        %dma_start3A_244 = tpu.memref_squeeze %dma_start3A_243 : memref<1x40xi32, #tpu.memory_space<vmem>> -> memref<40xi32, #tpu.memory_space<vmem>>
        %dma_start3A_245 = arith.constant 0 : i32
        %dma_start3A_246 = arith.constant 0 : i32
        %dma_start3A_247 = tpu.memref_slice %arg3[%dma_start3A_245, %dma_start3A_246] : memref<10000x64xi32, #tpu.memory_space<hbm>> -> memref<10000x64xi32, #tpu.memory_space<hbm>>
        tpu.enqueue_indirect_dma source(%dma_start3A_247 : memref<10000x64xi32, #tpu.memory_space<hbm>>) target(%arg15 : memref<40x64xi32, #tpu.memory_space<vmem>>) offsets(%dma_start3A_244 : memref<40xi32, #tpu.memory_space<vmem>>) semaphore(%arg23 : memref<!tpu.dma_semaphore, #tpu.memory_space<semaphore_mem>>)
      } else {
      }
      %dma_wait3A_99 = arith.constant 0 : i32
      %dma_wait3A_100 = arith.constant 0 : i32
      %dma_wait3A_101 = tpu.memref_slice %arg7[%dma_wait3A_99, %dma_wait3A_100] : memref<125x40xi32, #tpu.memory_space<vmem>> -> memref<1x40xi32, #tpu.memory_space<vmem>>
      %dma_wait3A_102 = tpu.memref_squeeze %dma_wait3A_101 : memref<1x40xi32, #tpu.memory_space<vmem>> -> memref<40xi32, #tpu.memory_space<vmem>>
      %dma_wait3A_103 = arith.constant 0 : i32
      %dma_wait3A_104 = arith.constant 0 : i32
      %dma_wait3A_105 = tpu.memref_slice %arg2[%dma_wait3A_103, %dma_wait3A_104] : memref<10000x64xi32, #tpu.memory_space<hbm>> -> memref<10000x64xi32, #tpu.memory_space<hbm>>
      tpu.wait_indirect_dma semaphore(%arg17 : memref<!tpu.dma_semaphore, #tpu.memory_space<semaphore_mem>>) src(%dma_wait3A_105 : memref<10000x64xi32, #tpu.memory_space<hbm>>) dst(%arg9 : memref<40x64xi32, #tpu.memory_space<vmem>>)
      %dma_wait3A_106 = arith.constant 0 : i32
      %dma_wait3A_107 = arith.constant 0 : i32
      %dma_wait3A_108 = tpu.memref_slice %arg8[%dma_wait3A_106, %dma_wait3A_107] : memref<125x40xi32, #tpu.memory_space<vmem>> -> memref<1x40xi32, #tpu.memory_space<vmem>>
      %dma_wait3A_109 = tpu.memref_squeeze %dma_wait3A_108 : memref<1x40xi32, #tpu.memory_space<vmem>> -> memref<40xi32, #tpu.memory_space<vmem>>
      %dma_wait3A_110 = arith.constant 0 : i32
      %dma_wait3A_111 = arith.constant 0 : i32
      %dma_wait3A_112 = tpu.memref_slice %arg3[%dma_wait3A_110, %dma_wait3A_111] : memref<10000x64xi32, #tpu.memory_space<hbm>> -> memref<10000x64xi32, #tpu.memory_space<hbm>>
      tpu.wait_indirect_dma semaphore(%arg21 : memref<!tpu.dma_semaphore, #tpu.memory_space<semaphore_mem>>) src(%dma_wait3A_112 : memref<10000x64xi32, #tpu.memory_space<hbm>>) dst(%arg13 : memref<40x64xi32, #tpu.memory_space<vmem>>)
      %mul3A_113 = arith.constant 40 : i32
      %mul3A_114 = arith.muli %add3A_94, %mul3A_113 : i32
      %add3A_115 = arith.addi %mul3A_2, %mul3A_114 : i32
      %dma_start3A_116 = arith.constant 0 : i32
      %dma_start3A_117 = tpu.memref_slice %arg6[%add3A_115, %dma_start3A_116] : memref<160000x128xi32, #tpu.memory_space<hbm>> -> memref<40x64xi32, #tpu.memory_space<hbm>>
      %dma_start3A_118 = arith.constant 0 : i32
      %dma_start3A_119 = tpu.memref_slice %arg6[%add3A_115, %dma_start3A_118] : memref<160000x128xi32, #tpu.memory_space<hbm>> -> memref<40x64xi32, #tpu.memory_space<hbm>>
      tpu.enqueue_dma source(%arg9 : memref<40x64xi32, #tpu.memory_space<vmem>>) target(%dma_start3A_119 : memref<40x64xi32, #tpu.memory_space<hbm>>) target_semaphore(%arg25 : memref<!tpu.dma_semaphore, #tpu.memory_space<semaphore_mem>>)
      %dma_start3A_120 = arith.constant 64 : i32
      %dma_start3A_121 = tpu.memref_slice %arg6[%add3A_115, %dma_start3A_120] : memref<160000x128xi32, #tpu.memory_space<hbm>> -> memref<40x64xi32, #tpu.memory_space<hbm>>
      %dma_start3A_122 = arith.constant 64 : i32
      %dma_start3A_123 = tpu.memref_slice %arg6[%add3A_115, %dma_start3A_122] : memref<160000x128xi32, #tpu.memory_space<hbm>> -> memref<40x64xi32, #tpu.memory_space<hbm>>
      tpu.enqueue_dma source(%arg13 : memref<40x64xi32, #tpu.memory_space<vmem>>) target(%dma_start3A_123 : memref<40x64xi32, #tpu.memory_space<hbm>>) target_semaphore(%arg25 : memref<!tpu.dma_semaphore, #tpu.memory_space<semaphore_mem>>)
      %mul3A_124 = arith.constant 4 : i32
      %mul3A_125 = arith.muli %mul3A_124, %scan3A_90 : i32
      %add3A_126 = arith.constant 1 : i32
      %add3A_127 = arith.addi %mul3A_125, %add3A_126 : i32
      %add3A_128 = arith.constant 2 : i32
      %add3A_129 = arith.addi %add3A_127, %add3A_128 : i32
      %lt3A_130 = arith.constant 125 : i32
      %lt3A_131 = arith.cmpi slt, %add3A_129, %lt3A_130 : i32
      %convert_element_type3A_132 = arith.extui %lt3A_131 : i1 to i32
      %cond3A_133 = arith.constant 0 : i32
      %cond3A_134 = arith.cmpi ne, %convert_element_type3A_132, %cond3A_133 : i32
      scf.if %cond3A_134 {
        %ge3A = arith.constant 2 : i32
        %ge3A_232 = arith.cmpi sge, %add3A_127, %ge3A : i32
        %convert_element_type3A_233 = arith.extui %ge3A_232 : i1 to i32
        %cond3A_234 = arith.constant 0 : i32
        %cond3A_235 = arith.cmpi ne, %convert_element_type3A_233, %cond3A_234 : i32
        scf.if %cond3A_235 {
          %dma_wait3A_248 = arith.constant 0 : i32
          %dma_wait3A_249 = tpu.memref_slice %arg6[%mul3A_2, %dma_wait3A_248] : memref<160000x128xi32, #tpu.memory_space<hbm>> -> memref<40x64xi32, #tpu.memory_space<hbm>>
          %dma_wait3A_250 = arith.constant 0 : i32
          %dma_wait3A_251 = tpu.memref_slice %arg6[%mul3A_2, %dma_wait3A_250] : memref<160000x128xi32, #tpu.memory_space<hbm>> -> memref<40x64xi32, #tpu.memory_space<hbm>>
          tpu.wait_dma2 semaphore(%arg28 : memref<!tpu.dma_semaphore, #tpu.memory_space<semaphore_mem>>) src(%arg12 : memref<40x64xi32, #tpu.memory_space<vmem>>) dst(%dma_wait3A_251 : memref<40x64xi32, #tpu.memory_space<hbm>>)
          %dma_wait3A_252 = arith.constant 64 : i32
          %dma_wait3A_253 = tpu.memref_slice %arg6[%mul3A_2, %dma_wait3A_252] : memref<160000x128xi32, #tpu.memory_space<hbm>> -> memref<40x64xi32, #tpu.memory_space<hbm>>
          %dma_wait3A_254 = arith.constant 64 : i32
          %dma_wait3A_255 = tpu.memref_slice %arg6[%mul3A_2, %dma_wait3A_254] : memref<160000x128xi32, #tpu.memory_space<hbm>> -> memref<40x64xi32, #tpu.memory_space<hbm>>
          tpu.wait_dma2 semaphore(%arg28 : memref<!tpu.dma_semaphore, #tpu.memory_space<semaphore_mem>>) src(%arg16 : memref<40x64xi32, #tpu.memory_space<vmem>>) dst(%dma_wait3A_255 : memref<40x64xi32, #tpu.memory_space<hbm>>)
        } else {
        }
        %dma_start3A_236 = arith.constant 0 : i32
        %dma_start3A_237 = tpu.memref_slice %arg7[%add3A_129, %dma_start3A_236] : memref<125x40xi32, #tpu.memory_space<vmem>> -> memref<1x40xi32, #tpu.memory_space<vmem>>
        %dma_start3A_238 = tpu.memref_squeeze %dma_start3A_237 : memref<1x40xi32, #tpu.memory_space<vmem>> -> memref<40xi32, #tpu.memory_space<vmem>>
        %dma_start3A_239 = arith.constant 0 : i32
        %dma_start3A_240 = arith.constant 0 : i32
        %dma_start3A_241 = tpu.memref_slice %arg2[%dma_start3A_239, %dma_start3A_240] : memref<10000x64xi32, #tpu.memory_space<hbm>> -> memref<10000x64xi32, #tpu.memory_space<hbm>>
        tpu.enqueue_indirect_dma source(%dma_start3A_241 : memref<10000x64xi32, #tpu.memory_space<hbm>>) target(%arg12 : memref<40x64xi32, #tpu.memory_space<vmem>>) offsets(%dma_start3A_238 : memref<40xi32, #tpu.memory_space<vmem>>) semaphore(%arg20 : memref<!tpu.dma_semaphore, #tpu.memory_space<semaphore_mem>>)
        %dma_start3A_242 = arith.constant 0 : i32
        %dma_start3A_243 = tpu.memref_slice %arg8[%add3A_129, %dma_start3A_242] : memref<125x40xi32, #tpu.memory_space<vmem>> -> memref<1x40xi32, #tpu.memory_space<vmem>>
        %dma_start3A_244 = tpu.memref_squeeze %dma_start3A_243 : memref<1x40xi32, #tpu.memory_space<vmem>> -> memref<40xi32, #tpu.memory_space<vmem>>
        %dma_start3A_245 = arith.constant 0 : i32
        %dma_start3A_246 = arith.constant 0 : i32
        %dma_start3A_247 = tpu.memref_slice %arg3[%dma_start3A_245, %dma_start3A_246] : memref<10000x64xi32, #tpu.memory_space<hbm>> -> memref<10000x64xi32, #tpu.memory_space<hbm>>
        tpu.enqueue_indirect_dma source(%dma_start3A_247 : memref<10000x64xi32, #tpu.memory_space<hbm>>) target(%arg16 : memref<40x64xi32, #tpu.memory_space<vmem>>) offsets(%dma_start3A_244 : memref<40xi32, #tpu.memory_space<vmem>>) semaphore(%arg24 : memref<!tpu.dma_semaphore, #tpu.memory_space<semaphore_mem>>)
      } else {
      }
      %dma_wait3A_135 = arith.constant 0 : i32
      %dma_wait3A_136 = arith.constant 0 : i32
      %dma_wait3A_137 = tpu.memref_slice %arg7[%dma_wait3A_135, %dma_wait3A_136] : memref<125x40xi32, #tpu.memory_space<vmem>> -> memref<1x40xi32, #tpu.memory_space<vmem>>
      %dma_wait3A_138 = tpu.memref_squeeze %dma_wait3A_137 : memref<1x40xi32, #tpu.memory_space<vmem>> -> memref<40xi32, #tpu.memory_space<vmem>>
      %dma_wait3A_139 = arith.constant 0 : i32
      %dma_wait3A_140 = arith.constant 0 : i32
      %dma_wait3A_141 = tpu.memref_slice %arg2[%dma_wait3A_139, %dma_wait3A_140] : memref<10000x64xi32, #tpu.memory_space<hbm>> -> memref<10000x64xi32, #tpu.memory_space<hbm>>
      tpu.wait_indirect_dma semaphore(%arg18 : memref<!tpu.dma_semaphore, #tpu.memory_space<semaphore_mem>>) src(%dma_wait3A_141 : memref<10000x64xi32, #tpu.memory_space<hbm>>) dst(%arg10 : memref<40x64xi32, #tpu.memory_space<vmem>>)
      %dma_wait3A_142 = arith.constant 0 : i32
      %dma_wait3A_143 = arith.constant 0 : i32
      %dma_wait3A_144 = tpu.memref_slice %arg8[%dma_wait3A_142, %dma_wait3A_143] : memref<125x40xi32, #tpu.memory_space<vmem>> -> memref<1x40xi32, #tpu.memory_space<vmem>>
      %dma_wait3A_145 = tpu.memref_squeeze %dma_wait3A_144 : memref<1x40xi32, #tpu.memory_space<vmem>> -> memref<40xi32, #tpu.memory_space<vmem>>
      %dma_wait3A_146 = arith.constant 0 : i32
      %dma_wait3A_147 = arith.constant 0 : i32
      %dma_wait3A_148 = tpu.memref_slice %arg3[%dma_wait3A_146, %dma_wait3A_147] : memref<10000x64xi32, #tpu.memory_space<hbm>> -> memref<10000x64xi32, #tpu.memory_space<hbm>>
      tpu.wait_indirect_dma semaphore(%arg22 : memref<!tpu.dma_semaphore, #tpu.memory_space<semaphore_mem>>) src(%dma_wait3A_148 : memref<10000x64xi32, #tpu.memory_space<hbm>>) dst(%arg14 : memref<40x64xi32, #tpu.memory_space<vmem>>)
      %mul3A_149 = arith.constant 40 : i32
      %mul3A_150 = arith.muli %add3A_127, %mul3A_149 : i32
      %add3A_151 = arith.addi %mul3A_2, %mul3A_150 : i32
      %dma_start3A_152 = arith.constant 0 : i32
      %dma_start3A_153 = tpu.memref_slice %arg6[%add3A_151, %dma_start3A_152] : memref<160000x128xi32, #tpu.memory_space<hbm>> -> memref<40x64xi32, #tpu.memory_space<hbm>>
      %dma_start3A_154 = arith.constant 0 : i32
      %dma_start3A_155 = tpu.memref_slice %arg6[%add3A_151, %dma_start3A_154] : memref<160000x128xi32, #tpu.memory_space<hbm>> -> memref<40x64xi32, #tpu.memory_space<hbm>>
      tpu.enqueue_dma source(%arg10 : memref<40x64xi32, #tpu.memory_space<vmem>>) target(%dma_start3A_155 : memref<40x64xi32, #tpu.memory_space<hbm>>) target_semaphore(%arg26 : memref<!tpu.dma_semaphore, #tpu.memory_space<semaphore_mem>>)
      %dma_start3A_156 = arith.constant 64 : i32
      %dma_start3A_157 = tpu.memref_slice %arg6[%add3A_151, %dma_start3A_156] : memref<160000x128xi32, #tpu.memory_space<hbm>> -> memref<40x64xi32, #tpu.memory_space<hbm>>
      %dma_start3A_158 = arith.constant 64 : i32
      %dma_start3A_159 = tpu.memref_slice %arg6[%add3A_151, %dma_start3A_158] : memref<160000x128xi32, #tpu.memory_space<hbm>> -> memref<40x64xi32, #tpu.memory_space<hbm>>
      tpu.enqueue_dma source(%arg14 : memref<40x64xi32, #tpu.memory_space<vmem>>) target(%dma_start3A_159 : memref<40x64xi32, #tpu.memory_space<hbm>>) target_semaphore(%arg26 : memref<!tpu.dma_semaphore, #tpu.memory_space<semaphore_mem>>)
      %mul3A_160 = arith.constant 4 : i32
      %mul3A_161 = arith.muli %mul3A_160, %scan3A_90 : i32
      %add3A_162 = arith.constant 2 : i32
      %add3A_163 = arith.addi %mul3A_161, %add3A_162 : i32
      %add3A_164 = arith.constant 2 : i32
      %add3A_165 = arith.addi %add3A_163, %add3A_164 : i32
      %lt3A_166 = arith.constant 125 : i32
      %lt3A_167 = arith.cmpi slt, %add3A_165, %lt3A_166 : i32
      %convert_element_type3A_168 = arith.extui %lt3A_167 : i1 to i32
      %cond3A_169 = arith.constant 0 : i32
      %cond3A_170 = arith.cmpi ne, %convert_element_type3A_168, %cond3A_169 : i32
      scf.if %cond3A_170 {
        %ge3A = arith.constant 2 : i32
        %ge3A_232 = arith.cmpi sge, %add3A_163, %ge3A : i32
        %convert_element_type3A_233 = arith.extui %ge3A_232 : i1 to i32
        %cond3A_234 = arith.constant 0 : i32
        %cond3A_235 = arith.cmpi ne, %convert_element_type3A_233, %cond3A_234 : i32
        scf.if %cond3A_235 {
          %dma_wait3A_248 = arith.constant 0 : i32
          %dma_wait3A_249 = tpu.memref_slice %arg6[%mul3A_2, %dma_wait3A_248] : memref<160000x128xi32, #tpu.memory_space<hbm>> -> memref<40x64xi32, #tpu.memory_space<hbm>>
          %dma_wait3A_250 = arith.constant 0 : i32
          %dma_wait3A_251 = tpu.memref_slice %arg6[%mul3A_2, %dma_wait3A_250] : memref<160000x128xi32, #tpu.memory_space<hbm>> -> memref<40x64xi32, #tpu.memory_space<hbm>>
          tpu.wait_dma2 semaphore(%arg25 : memref<!tpu.dma_semaphore, #tpu.memory_space<semaphore_mem>>) src(%arg9 : memref<40x64xi32, #tpu.memory_space<vmem>>) dst(%dma_wait3A_251 : memref<40x64xi32, #tpu.memory_space<hbm>>)
          %dma_wait3A_252 = arith.constant 64 : i32
          %dma_wait3A_253 = tpu.memref_slice %arg6[%mul3A_2, %dma_wait3A_252] : memref<160000x128xi32, #tpu.memory_space<hbm>> -> memref<40x64xi32, #tpu.memory_space<hbm>>
          %dma_wait3A_254 = arith.constant 64 : i32
          %dma_wait3A_255 = tpu.memref_slice %arg6[%mul3A_2, %dma_wait3A_254] : memref<160000x128xi32, #tpu.memory_space<hbm>> -> memref<40x64xi32, #tpu.memory_space<hbm>>
          tpu.wait_dma2 semaphore(%arg25 : memref<!tpu.dma_semaphore, #tpu.memory_space<semaphore_mem>>) src(%arg13 : memref<40x64xi32, #tpu.memory_space<vmem>>) dst(%dma_wait3A_255 : memref<40x64xi32, #tpu.memory_space<hbm>>)
        } else {
        }
        %dma_start3A_236 = arith.constant 0 : i32
        %dma_start3A_237 = tpu.memref_slice %arg7[%add3A_165, %dma_start3A_236] : memref<125x40xi32, #tpu.memory_space<vmem>> -> memref<1x40xi32, #tpu.memory_space<vmem>>
        %dma_start3A_238 = tpu.memref_squeeze %dma_start3A_237 : memref<1x40xi32, #tpu.memory_space<vmem>> -> memref<40xi32, #tpu.memory_space<vmem>>
        %dma_start3A_239 = arith.constant 0 : i32
        %dma_start3A_240 = arith.constant 0 : i32
        %dma_start3A_241 = tpu.memref_slice %arg2[%dma_start3A_239, %dma_start3A_240] : memref<10000x64xi32, #tpu.memory_space<hbm>> -> memref<10000x64xi32, #tpu.memory_space<hbm>>
        tpu.enqueue_indirect_dma source(%dma_start3A_241 : memref<10000x64xi32, #tpu.memory_space<hbm>>) target(%arg9 : memref<40x64xi32, #tpu.memory_space<vmem>>) offsets(%dma_start3A_238 : memref<40xi32, #tpu.memory_space<vmem>>) semaphore(%arg17 : memref<!tpu.dma_semaphore, #tpu.memory_space<semaphore_mem>>)
        %dma_start3A_242 = arith.constant 0 : i32
        %dma_start3A_243 = tpu.memref_slice %arg8[%add3A_165, %dma_start3A_242] : memref<125x40xi32, #tpu.memory_space<vmem>> -> memref<1x40xi32, #tpu.memory_space<vmem>>
        %dma_start3A_244 = tpu.memref_squeeze %dma_start3A_243 : memref<1x40xi32, #tpu.memory_space<vmem>> -> memref<40xi32, #tpu.memory_space<vmem>>
        %dma_start3A_245 = arith.constant 0 : i32
        %dma_start3A_246 = arith.constant 0 : i32
        %dma_start3A_247 = tpu.memref_slice %arg3[%dma_start3A_245, %dma_start3A_246] : memref<10000x64xi32, #tpu.memory_space<hbm>> -> memref<10000x64xi32, #tpu.memory_space<hbm>>
        tpu.enqueue_indirect_dma source(%dma_start3A_247 : memref<10000x64xi32, #tpu.memory_space<hbm>>) target(%arg13 : memref<40x64xi32, #tpu.memory_space<vmem>>) offsets(%dma_start3A_244 : memref<40xi32, #tpu.memory_space<vmem>>) semaphore(%arg21 : memref<!tpu.dma_semaphore, #tpu.memory_space<semaphore_mem>>)
      } else {
      }
      %dma_wait3A_171 = arith.constant 0 : i32
      %dma_wait3A_172 = arith.constant 0 : i32
      %dma_wait3A_173 = tpu.memref_slice %arg7[%dma_wait3A_171, %dma_wait3A_172] : memref<125x40xi32, #tpu.memory_space<vmem>> -> memref<1x40xi32, #tpu.memory_space<vmem>>
      %dma_wait3A_174 = tpu.memref_squeeze %dma_wait3A_173 : memref<1x40xi32, #tpu.memory_space<vmem>> -> memref<40xi32, #tpu.memory_space<vmem>>
      %dma_wait3A_175 = arith.constant 0 : i32
      %dma_wait3A_176 = arith.constant 0 : i32
      %dma_wait3A_177 = tpu.memref_slice %arg2[%dma_wait3A_175, %dma_wait3A_176] : memref<10000x64xi32, #tpu.memory_space<hbm>> -> memref<10000x64xi32, #tpu.memory_space<hbm>>
      tpu.wait_indirect_dma semaphore(%arg19 : memref<!tpu.dma_semaphore, #tpu.memory_space<semaphore_mem>>) src(%dma_wait3A_177 : memref<10000x64xi32, #tpu.memory_space<hbm>>) dst(%arg11 : memref<40x64xi32, #tpu.memory_space<vmem>>)
      %dma_wait3A_178 = arith.constant 0 : i32
      %dma_wait3A_179 = arith.constant 0 : i32
      %dma_wait3A_180 = tpu.memref_slice %arg8[%dma_wait3A_178, %dma_wait3A_179] : memref<125x40xi32, #tpu.memory_space<vmem>> -> memref<1x40xi32, #tpu.memory_space<vmem>>
      %dma_wait3A_181 = tpu.memref_squeeze %dma_wait3A_180 : memref<1x40xi32, #tpu.memory_space<vmem>> -> memref<40xi32, #tpu.memory_space<vmem>>
      %dma_wait3A_182 = arith.constant 0 : i32
      %dma_wait3A_183 = arith.constant 0 : i32
      %dma_wait3A_184 = tpu.memref_slice %arg3[%dma_wait3A_182, %dma_wait3A_183] : memref<10000x64xi32, #tpu.memory_space<hbm>> -> memref<10000x64xi32, #tpu.memory_space<hbm>>
      tpu.wait_indirect_dma semaphore(%arg23 : memref<!tpu.dma_semaphore, #tpu.memory_space<semaphore_mem>>) src(%dma_wait3A_184 : memref<10000x64xi32, #tpu.memory_space<hbm>>) dst(%arg15 : memref<40x64xi32, #tpu.memory_space<vmem>>)
      %mul3A_185 = arith.constant 40 : i32
      %mul3A_186 = arith.muli %add3A_163, %mul3A_185 : i32
      %add3A_187 = arith.addi %mul3A_2, %mul3A_186 : i32
      %dma_start3A_188 = arith.constant 0 : i32
      %dma_start3A_189 = tpu.memref_slice %arg6[%add3A_187, %dma_start3A_188] : memref<160000x128xi32, #tpu.memory_space<hbm>> -> memref<40x64xi32, #tpu.memory_space<hbm>>
      %dma_start3A_190 = arith.constant 0 : i32
      %dma_start3A_191 = tpu.memref_slice %arg6[%add3A_187, %dma_start3A_190] : memref<160000x128xi32, #tpu.memory_space<hbm>> -> memref<40x64xi32, #tpu.memory_space<hbm>>
      tpu.enqueue_dma source(%arg11 : memref<40x64xi32, #tpu.memory_space<vmem>>) target(%dma_start3A_191 : memref<40x64xi32, #tpu.memory_space<hbm>>) target_semaphore(%arg27 : memref<!tpu.dma_semaphore, #tpu.memory_space<semaphore_mem>>)
      %dma_start3A_192 = arith.constant 64 : i32
      %dma_start3A_193 = tpu.memref_slice %arg6[%add3A_187, %dma_start3A_192] : memref<160000x128xi32, #tpu.memory_space<hbm>> -> memref<40x64xi32, #tpu.memory_space<hbm>>
      %dma_start3A_194 = arith.constant 64 : i32
      %dma_start3A_195 = tpu.memref_slice %arg6[%add3A_187, %dma_start3A_194] : memref<160000x128xi32, #tpu.memory_space<hbm>> -> memref<40x64xi32, #tpu.memory_space<hbm>>
      tpu.enqueue_dma source(%arg15 : memref<40x64xi32, #tpu.memory_space<vmem>>) target(%dma_start3A_195 : memref<40x64xi32, #tpu.memory_space<hbm>>) target_semaphore(%arg27 : memref<!tpu.dma_semaphore, #tpu.memory_space<semaphore_mem>>)
      %mul3A_196 = arith.constant 4 : i32
      %mul3A_197 = arith.muli %mul3A_196, %scan3A_90 : i32
      %add3A_198 = arith.constant 3 : i32
      %add3A_199 = arith.addi %mul3A_197, %add3A_198 : i32
      %add3A_200 = arith.constant 2 : i32
      %add3A_201 = arith.addi %add3A_199, %add3A_200 : i32
      %lt3A_202 = arith.constant 125 : i32
      %lt3A_203 = arith.cmpi slt, %add3A_201, %lt3A_202 : i32
      %convert_element_type3A_204 = arith.extui %lt3A_203 : i1 to i32
      %cond3A_205 = arith.constant 0 : i32
      %cond3A_206 = arith.cmpi ne, %convert_element_type3A_204, %cond3A_205 : i32
      scf.if %cond3A_206 {
        %ge3A = arith.constant 2 : i32
        %ge3A_232 = arith.cmpi sge, %add3A_199, %ge3A : i32
        %convert_element_type3A_233 = arith.extui %ge3A_232 : i1 to i32
        %cond3A_234 = arith.constant 0 : i32
        %cond3A_235 = arith.cmpi ne, %convert_element_type3A_233, %cond3A_234 : i32
        scf.if %cond3A_235 {
          %dma_wait3A_248 = arith.constant 0 : i32
          %dma_wait3A_249 = tpu.memref_slice %arg6[%mul3A_2, %dma_wait3A_248] : memref<160000x128xi32, #tpu.memory_space<hbm>> -> memref<40x64xi32, #tpu.memory_space<hbm>>
          %dma_wait3A_250 = arith.constant 0 : i32
          %dma_wait3A_251 = tpu.memref_slice %arg6[%mul3A_2, %dma_wait3A_250] : memref<160000x128xi32, #tpu.memory_space<hbm>> -> memref<40x64xi32, #tpu.memory_space<hbm>>
          tpu.wait_dma2 semaphore(%arg26 : memref<!tpu.dma_semaphore, #tpu.memory_space<semaphore_mem>>) src(%arg10 : memref<40x64xi32, #tpu.memory_space<vmem>>) dst(%dma_wait3A_251 : memref<40x64xi32, #tpu.memory_space<hbm>>)
          %dma_wait3A_252 = arith.constant 64 : i32
          %dma_wait3A_253 = tpu.memref_slice %arg6[%mul3A_2, %dma_wait3A_252] : memref<160000x128xi32, #tpu.memory_space<hbm>> -> memref<40x64xi32, #tpu.memory_space<hbm>>
          %dma_wait3A_254 = arith.constant 64 : i32
          %dma_wait3A_255 = tpu.memref_slice %arg6[%mul3A_2, %dma_wait3A_254] : memref<160000x128xi32, #tpu.memory_space<hbm>> -> memref<40x64xi32, #tpu.memory_space<hbm>>
          tpu.wait_dma2 semaphore(%arg26 : memref<!tpu.dma_semaphore, #tpu.memory_space<semaphore_mem>>) src(%arg14 : memref<40x64xi32, #tpu.memory_space<vmem>>) dst(%dma_wait3A_255 : memref<40x64xi32, #tpu.memory_space<hbm>>)
        } else {
        }
        %dma_start3A_236 = arith.constant 0 : i32
        %dma_start3A_237 = tpu.memref_slice %arg7[%add3A_201, %dma_start3A_236] : memref<125x40xi32, #tpu.memory_space<vmem>> -> memref<1x40xi32, #tpu.memory_space<vmem>>
        %dma_start3A_238 = tpu.memref_squeeze %dma_start3A_237 : memref<1x40xi32, #tpu.memory_space<vmem>> -> memref<40xi32, #tpu.memory_space<vmem>>
        %dma_start3A_239 = arith.constant 0 : i32
        %dma_start3A_240 = arith.constant 0 : i32
        %dma_start3A_241 = tpu.memref_slice %arg2[%dma_start3A_239, %dma_start3A_240] : memref<10000x64xi32, #tpu.memory_space<hbm>> -> memref<10000x64xi32, #tpu.memory_space<hbm>>
        tpu.enqueue_indirect_dma source(%dma_start3A_241 : memref<10000x64xi32, #tpu.memory_space<hbm>>) target(%arg10 : memref<40x64xi32, #tpu.memory_space<vmem>>) offsets(%dma_start3A_238 : memref<40xi32, #tpu.memory_space<vmem>>) semaphore(%arg18 : memref<!tpu.dma_semaphore, #tpu.memory_space<semaphore_mem>>)
        %dma_start3A_242 = arith.constant 0 : i32
        %dma_start3A_243 = tpu.memref_slice %arg8[%add3A_201, %dma_start3A_242] : memref<125x40xi32, #tpu.memory_space<vmem>> -> memref<1x40xi32, #tpu.memory_space<vmem>>
        %dma_start3A_244 = tpu.memref_squeeze %dma_start3A_243 : memref<1x40xi32, #tpu.memory_space<vmem>> -> memref<40xi32, #tpu.memory_space<vmem>>
        %dma_start3A_245 = arith.constant 0 : i32
        %dma_start3A_246 = arith.constant 0 : i32
        %dma_start3A_247 = tpu.memref_slice %arg3[%dma_start3A_245, %dma_start3A_246] : memref<10000x64xi32, #tpu.memory_space<hbm>> -> memref<10000x64xi32, #tpu.memory_space<hbm>>
        tpu.enqueue_indirect_dma source(%dma_start3A_247 : memref<10000x64xi32, #tpu.memory_space<hbm>>) target(%arg14 : memref<40x64xi32, #tpu.memory_space<vmem>>) offsets(%dma_start3A_244 : memref<40xi32, #tpu.memory_space<vmem>>) semaphore(%arg22 : memref<!tpu.dma_semaphore, #tpu.memory_space<semaphore_mem>>)
      } else {
      }
      %dma_wait3A_207 = arith.constant 0 : i32
      %dma_wait3A_208 = arith.constant 0 : i32
      %dma_wait3A_209 = tpu.memref_slice %arg7[%dma_wait3A_207, %dma_wait3A_208] : memref<125x40xi32, #tpu.memory_space<vmem>> -> memref<1x40xi32, #tpu.memory_space<vmem>>
      %dma_wait3A_210 = tpu.memref_squeeze %dma_wait3A_209 : memref<1x40xi32, #tpu.memory_space<vmem>> -> memref<40xi32, #tpu.memory_space<vmem>>
      %dma_wait3A_211 = arith.constant 0 : i32
      %dma_wait3A_212 = arith.constant 0 : i32
      %dma_wait3A_213 = tpu.memref_slice %arg2[%dma_wait3A_211, %dma_wait3A_212] : memref<10000x64xi32, #tpu.memory_space<hbm>> -> memref<10000x64xi32, #tpu.memory_space<hbm>>
      tpu.wait_indirect_dma semaphore(%arg20 : memref<!tpu.dma_semaphore, #tpu.memory_space<semaphore_mem>>) src(%dma_wait3A_213 : memref<10000x64xi32, #tpu.memory_space<hbm>>) dst(%arg12 : memref<40x64xi32, #tpu.memory_space<vmem>>)
      %dma_wait3A_214 = arith.constant 0 : i32
      %dma_wait3A_215 = arith.constant 0 : i32
      %dma_wait3A_216 = tpu.memref_slice %arg8[%dma_wait3A_214, %dma_wait3A_215] : memref<125x40xi32, #tpu.memory_space<vmem>> -> memref<1x40xi32, #tpu.memory_space<vmem>>
      %dma_wait3A_217 = tpu.memref_squeeze %dma_wait3A_216 : memref<1x40xi32, #tpu.memory_space<vmem>> -> memref<40xi32, #tpu.memory_space<vmem>>
      %dma_wait3A_218 = arith.constant 0 : i32
      %dma_wait3A_219 = arith.constant 0 : i32
      %dma_wait3A_220 = tpu.memref_slice %arg3[%dma_wait3A_218, %dma_wait3A_219] : memref<10000x64xi32, #tpu.memory_space<hbm>> -> memref<10000x64xi32, #tpu.memory_space<hbm>>
      tpu.wait_indirect_dma semaphore(%arg24 : memref<!tpu.dma_semaphore, #tpu.memory_space<semaphore_mem>>) src(%dma_wait3A_220 : memref<10000x64xi32, #tpu.memory_space<hbm>>) dst(%arg16 : memref<40x64xi32, #tpu.memory_space<vmem>>)
      %mul3A_221 = arith.constant 40 : i32
      %mul3A_222 = arith.muli %add3A_199, %mul3A_221 : i32
      %add3A_223 = arith.addi %mul3A_2, %mul3A_222 : i32
      %dma_start3A_224 = arith.constant 0 : i32
      %dma_start3A_225 = tpu.memref_slice %arg6[%add3A_223, %dma_start3A_224] : memref<160000x128xi32, #tpu.memory_space<hbm>> -> memref<40x64xi32, #tpu.memory_space<hbm>>
      %dma_start3A_226 = arith.constant 0 : i32
      %dma_start3A_227 = tpu.memref_slice %arg6[%add3A_223, %dma_start3A_226] : memref<160000x128xi32, #tpu.memory_space<hbm>> -> memref<40x64xi32, #tpu.memory_space<hbm>>
      tpu.enqueue_dma source(%arg12 : memref<40x64xi32, #tpu.memory_space<vmem>>) target(%dma_start3A_227 : memref<40x64xi32, #tpu.memory_space<hbm>>) target_semaphore(%arg28 : memref<!tpu.dma_semaphore, #tpu.memory_space<semaphore_mem>>)
      %dma_start3A_228 = arith.constant 64 : i32
      %dma_start3A_229 = tpu.memref_slice %arg6[%add3A_223, %dma_start3A_228] : memref<160000x128xi32, #tpu.memory_space<hbm>> -> memref<40x64xi32, #tpu.memory_space<hbm>>
      %dma_start3A_230 = arith.constant 64 : i32
      %dma_start3A_231 = tpu.memref_slice %arg6[%add3A_223, %dma_start3A_230] : memref<160000x128xi32, #tpu.memory_space<hbm>> -> memref<40x64xi32, #tpu.memory_space<hbm>>
      tpu.enqueue_dma source(%arg16 : memref<40x64xi32, #tpu.memory_space<vmem>>) target(%dma_start3A_231 : memref<40x64xi32, #tpu.memory_space<hbm>>) target_semaphore(%arg28 : memref<!tpu.dma_semaphore, #tpu.memory_space<semaphore_mem>>)
    }
    %scan3A_34 = arith.constant 31 : i32
    %dma_wait3A = arith.constant 0 : i32
    %dma_wait3A_35 = arith.constant 0 : i32
    %dma_wait3A_36 = tpu.memref_slice %arg7[%dma_wait3A, %dma_wait3A_35] : memref<125x40xi32, #tpu.memory_space<vmem>> -> memref<1x40xi32, #tpu.memory_space<vmem>>
    %dma_wait3A_37 = tpu.memref_squeeze %dma_wait3A_36 : memref<1x40xi32, #tpu.memory_space<vmem>> -> memref<40xi32, #tpu.memory_space<vmem>>
    %dma_wait3A_38 = arith.constant 0 : i32
    %dma_wait3A_39 = arith.constant 0 : i32
    %dma_wait3A_40 = tpu.memref_slice %arg2[%dma_wait3A_38, %dma_wait3A_39] : memref<10000x64xi32, #tpu.memory_space<hbm>> -> memref<10000x64xi32, #tpu.memory_space<hbm>>
    tpu.wait_indirect_dma semaphore(%arg17 : memref<!tpu.dma_semaphore, #tpu.memory_space<semaphore_mem>>) src(%dma_wait3A_40 : memref<10000x64xi32, #tpu.memory_space<hbm>>) dst(%arg9 : memref<40x64xi32, #tpu.memory_space<vmem>>)
    %dma_wait3A_41 = arith.constant 0 : i32
    %dma_wait3A_42 = arith.constant 0 : i32
    %dma_wait3A_43 = tpu.memref_slice %arg8[%dma_wait3A_41, %dma_wait3A_42] : memref<125x40xi32, #tpu.memory_space<vmem>> -> memref<1x40xi32, #tpu.memory_space<vmem>>
    %dma_wait3A_44 = tpu.memref_squeeze %dma_wait3A_43 : memref<1x40xi32, #tpu.memory_space<vmem>> -> memref<40xi32, #tpu.memory_space<vmem>>
    %dma_wait3A_45 = arith.constant 0 : i32
    %dma_wait3A_46 = arith.constant 0 : i32
    %dma_wait3A_47 = tpu.memref_slice %arg3[%dma_wait3A_45, %dma_wait3A_46] : memref<10000x64xi32, #tpu.memory_space<hbm>> -> memref<10000x64xi32, #tpu.memory_space<hbm>>
    tpu.wait_indirect_dma semaphore(%arg21 : memref<!tpu.dma_semaphore, #tpu.memory_space<semaphore_mem>>) src(%dma_wait3A_47 : memref<10000x64xi32, #tpu.memory_space<hbm>>) dst(%arg13 : memref<40x64xi32, #tpu.memory_space<vmem>>)
    %add3A_48 = arith.constant 4960 : i32
    %add3A_49 = arith.addi %mul3A_2, %add3A_48 : i32
    %dma_start3A_50 = arith.constant 0 : i32
    %dma_start3A_51 = tpu.memref_slice %arg6[%add3A_49, %dma_start3A_50] : memref<160000x128xi32, #tpu.memory_space<hbm>> -> memref<40x64xi32, #tpu.memory_space<hbm>>
    %dma_start3A_52 = arith.constant 0 : i32
    %dma_start3A_53 = tpu.memref_slice %arg6[%add3A_49, %dma_start3A_52] : memref<160000x128xi32, #tpu.memory_space<hbm>> -> memref<40x64xi32, #tpu.memory_space<hbm>>
    tpu.enqueue_dma source(%arg9 : memref<40x64xi32, #tpu.memory_space<vmem>>) target(%dma_start3A_53 : memref<40x64xi32, #tpu.memory_space<hbm>>) target_semaphore(%arg25 : memref<!tpu.dma_semaphore, #tpu.memory_space<semaphore_mem>>)
    %dma_start3A_54 = arith.constant 64 : i32
    %dma_start3A_55 = tpu.memref_slice %arg6[%add3A_49, %dma_start3A_54] : memref<160000x128xi32, #tpu.memory_space<hbm>> -> memref<40x64xi32, #tpu.memory_space<hbm>>
    %dma_start3A_56 = arith.constant 64 : i32
    %dma_start3A_57 = tpu.memref_slice %arg6[%add3A_49, %dma_start3A_56] : memref<160000x128xi32, #tpu.memory_space<hbm>> -> memref<40x64xi32, #tpu.memory_space<hbm>>
    tpu.enqueue_dma source(%arg13 : memref<40x64xi32, #tpu.memory_space<vmem>>) target(%dma_start3A_57 : memref<40x64xi32, #tpu.memory_space<hbm>>) target_semaphore(%arg25 : memref<!tpu.dma_semaphore, #tpu.memory_space<semaphore_mem>>)
    %dma_wait3A_58 = arith.constant 0 : i32
    %dma_wait3A_59 = tpu.memref_slice %arg6[%mul3A_2, %dma_wait3A_58] : memref<160000x128xi32, #tpu.memory_space<hbm>> -> memref<40x64xi32, #tpu.memory_space<hbm>>
    %dma_wait3A_60 = arith.constant 0 : i32
    %dma_wait3A_61 = tpu.memref_slice %arg6[%mul3A_2, %dma_wait3A_60] : memref<160000x128xi32, #tpu.memory_space<hbm>> -> memref<40x64xi32, #tpu.memory_space<hbm>>
    tpu.wait_dma2 semaphore(%arg25 : memref<!tpu.dma_semaphore, #tpu.memory_space<semaphore_mem>>) src(%arg9 : memref<40x64xi32, #tpu.memory_space<vmem>>) dst(%dma_wait3A_61 : memref<40x64xi32, #tpu.memory_space<hbm>>)
    %dma_wait3A_62 = arith.constant 64 : i32
    %dma_wait3A_63 = tpu.memref_slice %arg6[%mul3A_2, %dma_wait3A_62] : memref<160000x128xi32, #tpu.memory_space<hbm>> -> memref<40x64xi32, #tpu.memory_space<hbm>>
    %dma_wait3A_64 = arith.constant 64 : i32
    %dma_wait3A_65 = tpu.memref_slice %arg6[%mul3A_2, %dma_wait3A_64] : memref<160000x128xi32, #tpu.memory_space<hbm>> -> memref<40x64xi32, #tpu.memory_space<hbm>>
    tpu.wait_dma2 semaphore(%arg25 : memref<!tpu.dma_semaphore, #tpu.memory_space<semaphore_mem>>) src(%arg13 : memref<40x64xi32, #tpu.memory_space<vmem>>) dst(%dma_wait3A_65 : memref<40x64xi32, #tpu.memory_space<hbm>>)
    %dma_wait3A_66 = arith.constant 0 : i32
    %dma_wait3A_67 = tpu.memref_slice %arg6[%mul3A_2, %dma_wait3A_66] : memref<160000x128xi32, #tpu.memory_space<hbm>> -> memref<40x64xi32, #tpu.memory_space<hbm>>
    %dma_wait3A_68 = arith.constant 0 : i32
    %dma_wait3A_69 = tpu.memref_slice %arg6[%mul3A_2, %dma_wait3A_68] : memref<160000x128xi32, #tpu.memory_space<hbm>> -> memref<40x64xi32, #tpu.memory_space<hbm>>
    tpu.wait_dma2 semaphore(%arg26 : memref<!tpu.dma_semaphore, #tpu.memory_space<semaphore_mem>>) src(%arg10 : memref<40x64xi32, #tpu.memory_space<vmem>>) dst(%dma_wait3A_69 : memref<40x64xi32, #tpu.memory_space<hbm>>)
    %dma_wait3A_70 = arith.constant 64 : i32
    %dma_wait3A_71 = tpu.memref_slice %arg6[%mul3A_2, %dma_wait3A_70] : memref<160000x128xi32, #tpu.memory_space<hbm>> -> memref<40x64xi32, #tpu.memory_space<hbm>>
    %dma_wait3A_72 = arith.constant 64 : i32
    %dma_wait3A_73 = tpu.memref_slice %arg6[%mul3A_2, %dma_wait3A_72] : memref<160000x128xi32, #tpu.memory_space<hbm>> -> memref<40x64xi32, #tpu.memory_space<hbm>>
    tpu.wait_dma2 semaphore(%arg26 : memref<!tpu.dma_semaphore, #tpu.memory_space<semaphore_mem>>) src(%arg14 : memref<40x64xi32, #tpu.memory_space<vmem>>) dst(%dma_wait3A_73 : memref<40x64xi32, #tpu.memory_space<hbm>>)
    %dma_wait3A_74 = arith.constant 0 : i32
    %dma_wait3A_75 = tpu.memref_slice %arg6[%mul3A_2, %dma_wait3A_74] : memref<160000x128xi32, #tpu.memory_space<hbm>> -> memref<40x64xi32, #tpu.memory_space<hbm>>
    %dma_wait3A_76 = arith.constant 0 : i32
    %dma_wait3A_77 = tpu.memref_slice %arg6[%mul3A_2, %dma_wait3A_76] : memref<160000x128xi32, #tpu.memory_space<hbm>> -> memref<40x64xi32, #tpu.memory_space<hbm>>
    tpu.wait_dma2 semaphore(%arg27 : memref<!tpu.dma_semaphore, #tpu.memory_space<semaphore_mem>>) src(%arg11 : memref<40x64xi32, #tpu.memory_space<vmem>>) dst(%dma_wait3A_77 : memref<40x64xi32, #tpu.memory_space<hbm>>)
    %dma_wait3A_78 = arith.constant 64 : i32
    %dma_wait3A_79 = tpu.memref_slice %arg6[%mul3A_2, %dma_wait3A_78] : memref<160000x128xi32, #tpu.memory_space<hbm>> -> memref<40x64xi32, #tpu.memory_space<hbm>>
    %dma_wait3A_80 = arith.constant 64 : i32
    %dma_wait3A_81 = tpu.memref_slice %arg6[%mul3A_2, %dma_wait3A_80] : memref<160000x128xi32, #tpu.memory_space<hbm>> -> memref<40x64xi32, #tpu.memory_space<hbm>>
    tpu.wait_dma2 semaphore(%arg27 : memref<!tpu.dma_semaphore, #tpu.memory_space<semaphore_mem>>) src(%arg15 : memref<40x64xi32, #tpu.memory_space<vmem>>) dst(%dma_wait3A_81 : memref<40x64xi32, #tpu.memory_space<hbm>>)
    %dma_wait3A_82 = arith.constant 0 : i32
    %dma_wait3A_83 = tpu.memref_slice %arg6[%mul3A_2, %dma_wait3A_82] : memref<160000x128xi32, #tpu.memory_space<hbm>> -> memref<40x64xi32, #tpu.memory_space<hbm>>
    %dma_wait3A_84 = arith.constant 0 : i32
    %dma_wait3A_85 = tpu.memref_slice %arg6[%mul3A_2, %dma_wait3A_84] : memref<160000x128xi32, #tpu.memory_space<hbm>> -> memref<40x64xi32, #tpu.memory_space<hbm>>
    tpu.wait_dma2 semaphore(%arg28 : memref<!tpu.dma_semaphore, #tpu.memory_space<semaphore_mem>>) src(%arg12 : memref<40x64xi32, #tpu.memory_space<vmem>>) dst(%dma_wait3A_85 : memref<40x64xi32, #tpu.memory_space<hbm>>)
    %dma_wait3A_86 = arith.constant 64 : i32
    %dma_wait3A_87 = tpu.memref_slice %arg6[%mul3A_2, %dma_wait3A_86] : memref<160000x128xi32, #tpu.memory_space<hbm>> -> memref<40x64xi32, #tpu.memory_space<hbm>>
    %dma_wait3A_88 = arith.constant 64 : i32
    %dma_wait3A_89 = tpu.memref_slice %arg6[%mul3A_2, %dma_wait3A_88] : memref<160000x128xi32, #tpu.memory_space<hbm>> -> memref<40x64xi32, #tpu.memory_space<hbm>>
    tpu.wait_dma2 semaphore(%arg28 : memref<!tpu.dma_semaphore, #tpu.memory_space<semaphore_mem>>) src(%arg16 : memref<40x64xi32, #tpu.memory_space<vmem>>) dst(%dma_wait3A_89 : memref<40x64xi32, #tpu.memory_space<hbm>>)
    return
  }
}

module attributes {stable_mosaic.version = 14 : i64} {
  func.func @_pre_body(%arg0: memref<10000x128xf32, #tpu.memory_space<vmem>>, %arg1: memref<256x128xf32, #tpu.memory_space<vmem>>, %arg2: memref<1x128xf32, #tpu.memory_space<vmem>>, %arg3: memref<10000x128xbf16, #tpu.memory_space<vmem>>, %arg4: memref<10000x128xbf16, #tpu.memory_space<vmem>>) attributes {dimension_semantics = [], scalar_prefetch = 0 : i64, scratch_operands = 0 : i64, tpu.core_type = #tpu.core_type<tc>} {
    %get3A = arith.constant 0 : index
    %get3A_0 = arith.constant 0 : index
    %get3A_1 = vector.load %arg0[%get3A, %get3A_0] : memref<10000x128xf32, #tpu.memory_space<vmem>>, vector<10000x128xf32>
    %get3A_2 = arith.constant 0 : index
    %get3A_3 = arith.constant 0 : index
    %get3A_4 = vector.load %arg1[%get3A_2, %get3A_3] : memref<256x128xf32, #tpu.memory_space<vmem>>, vector<128x128xf32>
    %get3A_5 = arith.constant 128 : index
    %get3A_6 = arith.constant 0 : index
    %get3A_7 = vector.load %arg1[%get3A_5, %get3A_6] : memref<256x128xf32, #tpu.memory_space<vmem>>, vector<128x128xf32>
    %sub3A = arith.subf %get3A_4, %get3A_7 : vector<128x128xf32>
    %get3A_8 = arith.constant 128 : index
    %get3A_9 = arith.constant 0 : index
    %get3A_10 = vector.load %arg1[%get3A_8, %get3A_9] : memref<256x128xf32, #tpu.memory_space<vmem>>, vector<128x128xf32>
    %dot_general3A = arith.constant dense<0.000000e+00> : vector<10000x128xf32>
    %dot_general3A_11 = tpu.matmul %get3A_1, %sub3A, %dot_general3A {dimension_numbers = #tpu.dot_dimension_numbers<[1], [0], [0], [1], [0, 0, 1, 1], [], []>, transpose_lhs_hint = false} : vector<10000x128xf32>, vector<128x128xf32>, vector<10000x128xf32> -> vector<10000x128xf32>
    %get3A_12 = arith.constant 0 : index
    %get3A_13 = arith.constant 0 : index
    %get3A_14 = vector.load %arg2[%get3A_12, %get3A_13] : memref<1x128xf32, #tpu.memory_space<vmem>>, vector<1x128xf32>
    %add3A = vector.broadcast %get3A_14 : vector<1x128xf32> to vector<10000x128xf32>
    %add3A_15 = arith.addf %dot_general3A_11, %add3A : vector<10000x128xf32>
    %dot_general3A_16 = arith.constant dense<0.000000e+00> : vector<10000x128xf32>
    %dot_general3A_17 = tpu.matmul %get3A_1, %get3A_10, %dot_general3A_16 {dimension_numbers = #tpu.dot_dimension_numbers<[1], [0], [0], [1], [0, 0, 1, 1], [], []>, transpose_lhs_hint = false} : vector<10000x128xf32>, vector<128x128xf32>, vector<10000x128xf32> -> vector<10000x128xf32>
    %convert_element_type3A = arith.truncf %add3A_15 : vector<10000x128xf32> to vector<10000x128xbf16>
    %swap3A = arith.constant 0 : index
    %swap3A_18 = arith.constant 0 : index
    %swap3A_19 = vector.load %arg3[%swap3A, %swap3A_18] : memref<10000x128xbf16, #tpu.memory_space<vmem>>, vector<10000x128xbf16>
    tpu.vector_store %arg3[%swap3A, %swap3A_18], %convert_element_type3A {strides = array<i32>} : memref<10000x128xbf16, #tpu.memory_space<vmem>>, vector<10000x128xbf16>,
    %convert_element_type3A_20 = arith.truncf %dot_general3A_17 : vector<10000x128xf32> to vector<10000x128xbf16>
    %swap3A_21 = arith.constant 0 : index
    %swap3A_22 = arith.constant 0 : index
    %swap3A_23 = vector.load %arg4[%swap3A_21, %swap3A_22] : memref<10000x128xbf16, #tpu.memory_space<vmem>>, vector<10000x128xbf16>
    tpu.vector_store %arg4[%swap3A_21, %swap3A_22], %convert_element_type3A_20 {strides = array<i32>} : memref<10000x128xbf16, #tpu.memory_space<vmem>>, vector<10000x128xbf16>,
    return
  }
}

module attributes {stable_mosaic.version = 14 : i64} {
  func.func @_mlp_body(%arg0: i32, %arg1: memref<4000x128xi32, #tpu.memory_space<vmem>>, %arg2: memref<64x128xf32, #tpu.memory_space<vmem>>, %arg3: memref<64x128xf32, #tpu.memory_space<vmem>>, %arg4: memref<1x128xf32, #tpu.memory_space<vmem>>, %arg5: memref<4000x128xf32, #tpu.memory_space<vmem>>) attributes {dimension_semantics = [#tpu.dimension_semantics<arbitrary>], iteration_bounds = array<i64: 40>, scalar_prefetch = 0 : i64, scratch_operands = 0 : i64, tpu.core_type = #tpu.core_type<tc>, window_params = [{transform_indices = @transform_0, window_bounds = array<i64: 4000, 128>}, {pipeline_mode = #tpu.pipeline_mode<synchronous>, transform_indices = @transform_1, window_bounds = array<i64: 64, 128>}, {pipeline_mode = #tpu.pipeline_mode<synchronous>, transform_indices = @transform_2, window_bounds = array<i64: 64, 128>}, {pipeline_mode = #tpu.pipeline_mode<synchronous>, transform_indices = @transform_3, window_bounds = array<i64: 1, 128>}, {transform_indices = @transform_4, window_bounds = array<i64: 4000, 128>}]} {
    %get3A = arith.constant 0 : index
    %get3A_0 = arith.constant 0 : index
    %get3A_1 = vector.load %arg1[%get3A, %get3A_0] : memref<4000x128xi32, #tpu.memory_space<vmem>>, vector<4000x128xi32>
    %slice3A = vector.extract_strided_slice %get3A_1 {offsets = [0, 0], sizes = [4000, 64], strides = [1, 1]} : vector<4000x128xi32> to vector<4000x64xi32>
    %slice3A_2 = vector.extract_strided_slice %get3A_1 {offsets = [0, 64], sizes = [4000, 64], strides = [1, 1]} : vector<4000x128xi32> to vector<4000x64xi32>
    %shift_left3A = arith.constant 16 : i32
    %shift_left3A_3 = vector.broadcast %shift_left3A : i32 to vector<4000x64xi32>
    %shift_left3A_4 = arith.shli %slice3A, %shift_left3A_3 : vector<4000x64xi32>
    %bitcast_convert_type3A = tpu.bitcast %shift_left3A_4 : vector<4000x64xi32> -> vector<4000x64xf32>
    %and3A = arith.constant -65536 : i32
    %and3A_5 = vector.broadcast %and3A : i32 to vector<4000x64xi32>
    %and3A_6 = arith.andi %slice3A, %and3A_5 : vector<4000x64xi32>
    %bitcast_convert_type3A_7 = tpu.bitcast %and3A_6 : vector<4000x64xi32> -> vector<4000x64xf32>
    %shift_left3A_8 = arith.constant 16 : i32
    %shift_left3A_9 = vector.broadcast %shift_left3A_8 : i32 to vector<4000x64xi32>
    %shift_left3A_10 = arith.shli %slice3A_2, %shift_left3A_9 : vector<4000x64xi32>
    %bitcast_convert_type3A_11 = tpu.bitcast %shift_left3A_10 : vector<4000x64xi32> -> vector<4000x64xf32>
    %and3A_12 = arith.constant -65536 : i32
    %and3A_13 = vector.broadcast %and3A_12 : i32 to vector<4000x64xi32>
    %and3A_14 = arith.andi %slice3A_2, %and3A_13 : vector<4000x64xi32>
    %bitcast_convert_type3A_15 = tpu.bitcast %and3A_14 : vector<4000x64xi32> -> vector<4000x64xf32>
    %add3A = arith.addf %bitcast_convert_type3A, %bitcast_convert_type3A_11 : vector<4000x64xf32>
    %max3A = arith.constant 0.000000e+00 : f32
    %max3A_16 = vector.broadcast %max3A : f32 to vector<4000x64xf32>
    %max3A_17 = arith.maximumf %add3A, %max3A_16 : vector<4000x64xf32>
    %convert_element_type3A = arith.truncf %max3A_17 : vector<4000x64xf32> to vector<4000x64xbf16>
    %add3A_18 = arith.addf %bitcast_convert_type3A_7, %bitcast_convert_type3A_15 : vector<4000x64xf32>
    %max3A_19 = arith.constant 0.000000e+00 : f32
    %max3A_20 = vector.broadcast %max3A_19 : f32 to vector<4000x64xf32>
    %max3A_21 = arith.maximumf %add3A_18, %max3A_20 : vector<4000x64xf32>
    %convert_element_type3A_22 = arith.truncf %max3A_21 : vector<4000x64xf32> to vector<4000x64xbf16>
    %get3A_23 = arith.constant 0 : index
    %get3A_24 = arith.constant 0 : index
    %get3A_25 = vector.load %arg2[%get3A_23, %get3A_24] : memref<64x128xf32, #tpu.memory_space<vmem>>, vector<64x128xf32>
    %convert_element_type3A_26 = arith.truncf %get3A_25 : vector<64x128xf32> to vector<64x128xbf16>
    %dot_general3A = arith.constant dense<0.000000e+00> : vector<4000x128xf32>
    %dot_general3A_27 = tpu.matmul %convert_element_type3A, %convert_element_type3A_26, %dot_general3A {dimension_numbers = #tpu.dot_dimension_numbers<[1], [0], [0], [1], [0, 0, 1, 1], [], []>, transpose_lhs_hint = false} : vector<4000x64xbf16>, vector<64x128xbf16>, vector<4000x128xf32> -> vector<4000x128xf32>
    %get3A_28 = arith.constant 0 : index
    %get3A_29 = arith.constant 0 : index
    %get3A_30 = vector.load %arg3[%get3A_28, %get3A_29] : memref<64x128xf32, #tpu.memory_space<vmem>>, vector<64x128xf32>
    %convert_element_type3A_31 = arith.truncf %get3A_30 : vector<64x128xf32> to vector<64x128xbf16>
    %dot_general3A_32 = arith.constant dense<0.000000e+00> : vector<4000x128xf32>
    %dot_general3A_33 = tpu.matmul %convert_element_type3A_22, %convert_element_type3A_31, %dot_general3A_32 {dimension_numbers = #tpu.dot_dimension_numbers<[1], [0], [0], [1], [0, 0, 1, 1], [], []>, transpose_lhs_hint = false} : vector<4000x64xbf16>, vector<64x128xbf16>, vector<4000x128xf32> -> vector<4000x128xf32>
    %add3A_34 = arith.addf %dot_general3A_27, %dot_general3A_33 : vector<4000x128xf32>
    %get3A_35 = arith.constant 0 : index
    %get3A_36 = arith.constant 0 : index
    %get3A_37 = vector.load %arg4[%get3A_35, %get3A_36] : memref<1x128xf32, #tpu.memory_space<vmem>>, vector<1x128xf32>
    %add3A_38 = vector.broadcast %get3A_37 : vector<1x128xf32> to vector<4000x128xf32>
    %add3A_39 = arith.addf %add3A_34, %add3A_38 : vector<4000x128xf32>
    %max3A_40 = arith.constant 0.000000e+00 : f32
    %max3A_41 = vector.broadcast %max3A_40 : f32 to vector<4000x128xf32>
    %max3A_42 = arith.maximumf %add3A_39, %max3A_41 : vector<4000x128xf32>
    %swap3A = arith.constant 0 : index
    %swap3A_43 = arith.constant 0 : index
    %swap3A_44 = vector.load %arg5[%swap3A, %swap3A_43] : memref<4000x128xf32, #tpu.memory_space<vmem>>, vector<4000x128xf32>
    tpu.vector_store %arg5[%swap3A, %swap3A_43], %max3A_42 {strides = array<i32>} : memref<4000x128xf32, #tpu.memory_space<vmem>>, vector<4000x128xf32>,
    return
  }
  func.func @transform_0(%arg0: i32) -> (i32, i32) {
    %c0_i32 = arith.constant 0 : i32
    %c0_i32_0 = arith.constant 0 : i32
    return %arg0, %c0_i32 : i32, i32
  }
  func.func @transform_1(%arg0: i32) -> (i32, i32) {
    %c0_i32 = arith.constant 0 : i32
    %c0_i32_0 = arith.constant 0 : i32
    %c0_i32_1 = arith.constant 0 : i32
    return %c0_i32, %c0_i32_0 : i32, i32
  }
  func.func @transform_2(%arg0: i32) -> (i32, i32) {
    %c0_i32 = arith.constant 0 : i32
    %c0_i32_0 = arith.constant 0 : i32
    %c0_i32_1 = arith.constant 0 : i32
    return %c0_i32, %c0_i32_0 : i32, i32
  }
  func.func @transform_3(%arg0: i32) -> (i32, i32) {
    %c0_i32 = arith.constant 0 : i32
    %c0_i32_0 = arith.constant 0 : i32
    %c0_i32_1 = arith.constant 0 : i32
    return %c0_i32, %c0_i32_0 : i32, i32
  }
  func.func @transform_4(%arg0: i32) -> (i32, i32) {
    %add3A = arith.constant 0 : i32
    %add3A_0 = arith.addi %arg0, %add3A : i32
    %c0_i32 = arith.constant 0 : i32
    %c0_i32_1 = arith.constant 0 : i32
    return %add3A_0, %c0_i32 : i32, i32
  }
}

module attributes {stable_mosaic.version = 14 : i64} {
  func.func @_mlp_body2(%arg0: i32, %arg1: memref<4000x128xi32, #tpu.memory_space<vmem>>, %arg2: memref<64x128xf32, #tpu.memory_space<vmem>>, %arg3: memref<64x128xf32, #tpu.memory_space<vmem>>, %arg4: memref<1x128xf32, #tpu.memory_space<vmem>>, %arg5: memref<320000x128xf32, #tpu.memory_space<any>>, %arg6: memref<4000x128xf32, #tpu.memory_space<vmem>>) attributes {dimension_semantics = [#tpu.dimension_semantics<arbitrary>], iteration_bounds = array<i64: 40>, scalar_prefetch = 0 : i64, scratch_operands = 0 : i64, tpu.core_type = #tpu.core_type<tc>, window_params = [{transform_indices = @transform_0, window_bounds = array<i64: 4000, 128>}, {pipeline_mode = #tpu.pipeline_mode<synchronous>, transform_indices = @transform_1, window_bounds = array<i64: 64, 128>}, {pipeline_mode = #tpu.pipeline_mode<synchronous>, transform_indices = @transform_2, window_bounds = array<i64: 64, 128>}, {pipeline_mode = #tpu.pipeline_mode<synchronous>, transform_indices = @transform_3, window_bounds = array<i64: 1, 128>}, {}, {transform_indices = @transform_5, window_bounds = array<i64: 4000, 128>}]} {
    %get3A = arith.constant 0 : index
    %get3A_0 = arith.constant 0 : index
    %get3A_1 = vector.load %arg1[%get3A, %get3A_0] : memref<4000x128xi32, #tpu.memory_space<vmem>>, vector<4000x128xi32>
    %slice3A = vector.extract_strided_slice %get3A_1 {offsets = [0, 0], sizes = [4000, 64], strides = [1, 1]} : vector<4000x128xi32> to vector<4000x64xi32>
    %slice3A_2 = vector.extract_strided_slice %get3A_1 {offsets = [0, 64], sizes = [4000, 64], strides = [1, 1]} : vector<4000x128xi32> to vector<4000x64xi32>
    %shift_left3A = arith.constant 16 : i32
    %shift_left3A_3 = vector.broadcast %shift_left3A : i32 to vector<4000x64xi32>
    %shift_left3A_4 = arith.shli %slice3A, %shift_left3A_3 : vector<4000x64xi32>
    %bitcast_convert_type3A = tpu.bitcast %shift_left3A_4 : vector<4000x64xi32> -> vector<4000x64xf32>
    %and3A = arith.constant -65536 : i32
    %and3A_5 = vector.broadcast %and3A : i32 to vector<4000x64xi32>
    %and3A_6 = arith.andi %slice3A, %and3A_5 : vector<4000x64xi32>
    %bitcast_convert_type3A_7 = tpu.bitcast %and3A_6 : vector<4000x64xi32> -> vector<4000x64xf32>
    %shift_left3A_8 = arith.constant 16 : i32
    %shift_left3A_9 = vector.broadcast %shift_left3A_8 : i32 to vector<4000x64xi32>
    %shift_left3A_10 = arith.shli %slice3A_2, %shift_left3A_9 : vector<4000x64xi32>
    %bitcast_convert_type3A_11 = tpu.bitcast %shift_left3A_10 : vector<4000x64xi32> -> vector<4000x64xf32>
    %and3A_12 = arith.constant -65536 : i32
    %and3A_13 = vector.broadcast %and3A_12 : i32 to vector<4000x64xi32>
    %and3A_14 = arith.andi %slice3A_2, %and3A_13 : vector<4000x64xi32>
    %bitcast_convert_type3A_15 = tpu.bitcast %and3A_14 : vector<4000x64xi32> -> vector<4000x64xf32>
    %add3A = arith.addf %bitcast_convert_type3A, %bitcast_convert_type3A_11 : vector<4000x64xf32>
    %max3A = arith.constant 0.000000e+00 : f32
    %max3A_16 = vector.broadcast %max3A : f32 to vector<4000x64xf32>
    %max3A_17 = arith.maximumf %add3A, %max3A_16 : vector<4000x64xf32>
    %convert_element_type3A = arith.truncf %max3A_17 : vector<4000x64xf32> to vector<4000x64xbf16>
    %add3A_18 = arith.addf %bitcast_convert_type3A_7, %bitcast_convert_type3A_15 : vector<4000x64xf32>
    %max3A_19 = arith.constant 0.000000e+00 : f32
    %max3A_20 = vector.broadcast %max3A_19 : f32 to vector<4000x64xf32>
    %max3A_21 = arith.maximumf %add3A_18, %max3A_20 : vector<4000x64xf32>
    %convert_element_type3A_22 = arith.truncf %max3A_21 : vector<4000x64xf32> to vector<4000x64xbf16>
    %get3A_23 = arith.constant 0 : index
    %get3A_24 = arith.constant 0 : index
    %get3A_25 = vector.load %arg2[%get3A_23, %get3A_24] : memref<64x128xf32, #tpu.memory_space<vmem>>, vector<64x128xf32>
    %convert_element_type3A_26 = arith.truncf %get3A_25 : vector<64x128xf32> to vector<64x128xbf16>
    %dot_general3A = arith.constant dense<0.000000e+00> : vector<4000x128xf32>
    %dot_general3A_27 = tpu.matmul %convert_element_type3A, %convert_element_type3A_26, %dot_general3A {dimension_numbers = #tpu.dot_dimension_numbers<[1], [0], [0], [1], [0, 0, 1, 1], [], []>, transpose_lhs_hint = false} : vector<4000x64xbf16>, vector<64x128xbf16>, vector<4000x128xf32> -> vector<4000x128xf32>
    %get3A_28 = arith.constant 0 : index
    %get3A_29 = arith.constant 0 : index
    %get3A_30 = vector.load %arg3[%get3A_28, %get3A_29] : memref<64x128xf32, #tpu.memory_space<vmem>>, vector<64x128xf32>
    %convert_element_type3A_31 = arith.truncf %get3A_30 : vector<64x128xf32> to vector<64x128xbf16>
    %dot_general3A_32 = arith.constant dense<0.000000e+00> : vector<4000x128xf32>
    %dot_general3A_33 = tpu.matmul %convert_element_type3A_22, %convert_element_type3A_31, %dot_general3A_32 {dimension_numbers = #tpu.dot_dimension_numbers<[1], [0], [0], [1], [0, 0, 1, 1], [], []>, transpose_lhs_hint = false} : vector<4000x64xbf16>, vector<64x128xbf16>, vector<4000x128xf32> -> vector<4000x128xf32>
    %add3A_34 = arith.addf %dot_general3A_27, %dot_general3A_33 : vector<4000x128xf32>
    %get3A_35 = arith.constant 0 : index
    %get3A_36 = arith.constant 0 : index
    %get3A_37 = vector.load %arg4[%get3A_35, %get3A_36] : memref<1x128xf32, #tpu.memory_space<vmem>>, vector<1x128xf32>
    %add3A_38 = vector.broadcast %get3A_37 : vector<1x128xf32> to vector<4000x128xf32>
    %add3A_39 = arith.addf %add3A_34, %add3A_38 : vector<4000x128xf32>
    %max3A_40 = arith.constant 0.000000e+00 : f32
    %max3A_41 = vector.broadcast %max3A_40 : f32 to vector<4000x128xf32>
    %max3A_42 = arith.maximumf %add3A_39, %max3A_41 : vector<4000x128xf32>
    %swap3A = arith.constant 0 : index
    %swap3A_43 = arith.constant 0 : index
    %swap3A_44 = vector.load %arg6[%swap3A, %swap3A_43] : memref<4000x128xf32, #tpu.memory_space<vmem>>, vector<4000x128xf32>
    tpu.vector_store %arg6[%swap3A, %swap3A_43], %max3A_42 {strides = array<i32>} : memref<4000x128xf32, #tpu.memory_space<vmem>>, vector<4000x128xf32>,
    return
  }
  func.func @transform_0(%arg0: i32) -> (i32, i32) {
    %c0_i32 = arith.constant 0 : i32
    %c0_i32_0 = arith.constant 0 : i32
    return %arg0, %c0_i32 : i32, i32
  }
  func.func @transform_1(%arg0: i32) -> (i32, i32) {
    %c0_i32 = arith.constant 0 : i32
    %c0_i32_0 = arith.constant 0 : i32
    %c0_i32_1 = arith.constant 0 : i32
    return %c0_i32, %c0_i32_0 : i32, i32
  }
  func.func @transform_2(%arg0: i32) -> (i32, i32) {
    %c0_i32 = arith.constant 0 : i32
    %c0_i32_0 = arith.constant 0 : i32
    %c0_i32_1 = arith.constant 0 : i32
    return %c0_i32, %c0_i32_0 : i32, i32
  }
  func.func @transform_3(%arg0: i32) -> (i32, i32) {
    %c0_i32 = arith.constant 0 : i32
    %c0_i32_0 = arith.constant 0 : i32
    %c0_i32_1 = arith.constant 0 : i32
    return %c0_i32, %c0_i32_0 : i32, i32
  }
  func.func @transform_5(%arg0: i32) -> (i32, i32) {
    %add3A = arith.constant 40 : i32
    %add3A_0 = arith.addi %arg0, %add3A : i32
    %c0_i32 = arith.constant 0 : i32
    %c0_i32_1 = arith.constant 0 : i32
    return %add3A_0, %c0_i32 : i32, i32
  }
}

</mosaic_0001>

<sc_bundles>
// kernel: kernel.10.cloned.1.call-start
scs
__scs_entry_jumppad:
0x0: {  	(pc) =	sbr.rel $0x88, $3  }
0x1: {  	(tag) =	ssettag $0x0;
	lr =	simm.s32 $0x1  }
0x2: {  	[smem:$0x3F9B] =	sst lr;
	_ =	strace $0xD0000000  }
0x3: {  	_ = 	snop  }
0x4: {  	_ = 	snop  }
0x5: {  	_ = 	snop  }
0x6: {  	_ = 	snop  }
0x7: {  	_ = 	snop  }
__scs_overlays_trampoline_lowered:
0x8: {  	[smem:$0x3FAA] =	sst s0  }
0x9: {  	[smem:$0x3FAB] =	sst s1  }
0xa: {  	[smem:$0x3FAC] =	sst s2  }
0xb: {  	[smem:$0x3FAD] =	sst s3  }
0xc: {  	[smem:$0x3FAE] =	sst s4  }
0xd: {  	[smem:$0x3FAF] =	sst s5  }
0xe: {  	[smem:$0x3FB0] =	sst s6  }
0xf: {  	[smem:$0x3FB1] =	sst s7  }
0x10: {  	[smem:$0x3FB2] =	sst s8  }
0x11: {  	[smem:$0x3FB3] =	sst s9;
	s0 =	simm.s32 @!p0 $0x0  }
0x12: {  	s1 =	sld [smem:$0x3F99];
	s0 =	simm.s32 @p0 $0x1  }
0x13: {  	[smem:$0x3FB4] =	sst s0;
	s0 =	simm.s32 @!p1 $0x0  }
0x14: {  	s2 =	sld [smem:$0x3F98];
	s0 =	simm.s32 @p1 $0x1  }
0x15: {  	[smem:$0x3FB5] =	sst s0;
	s0 =	simm.s32 @!p2 $0x0  }
0x16: {  	s3 =	sld [smem:$0x3FDB];
	s0 =	simm.s32 @p2 $0x1  }
0x17: {  	s4 =	simm.s32 $0x1BF5;
	[smem:$0x3FB7] =	sst s0  }
0x18: {  	s0 =	sld [smem:$0x3F9A];
	_ =	swait.ge [sflag:s4], $0x0  }
0x19: {  	s7 =	sld [smem:$0x3F9B]  }
0x1a: {  	s8 =	sadd.s32 $0xFFFFE003, lr  }
0x1b: {  	s9 =	sadd.s32 $0xFFFFFEF7, lr;
	s5 =	simm.s32 $0xFFFFFFFF;
	p2 =	slt.u32 s8, $0xFFFFF086  }
0x1c: {  	p1 =	slt.u32 s9, $0xF7A;
	s5 =	simm.s32 @!p2 $0x0  }
0x1d: {  	s5 =	simm.s32 @p1 $0x1;
	p0 =	seq.s32 s7, s2  }
0x1e: {  	s7 =	smul.u32 @!p0 $0xF7A, s2;
	p2 =	seq.s32 @!p0 s5, $0x0  }
0x1f: {  	s9 =	smul.u32 $0xF7A, s1;
	s8 =	simm.s32 @!p0 $0x1BF5;
	p2 =	por !p2, p0  }
0x20: {  	[sflag:s8] =	ssyncset.s32 @!p0 $0xFFFFF086;
	s6 =	sadd.s32 @!p0 s3, s7;
	s7 =	simm.s32 @!p0 $0x108  }
0x21: {  	s3 =	sadd.s32 s3, s9;
	s6 =	sadd.s32 @!p0 $0x88, s6;
	s7 =	simm.s32 @p2 $0x1082  }
0x22: {  	[simem:s7], [sflag:s8] =	dma.local @!p0 [hbm:s6], $0xF7A  }
0x23: {  	s9 =	sor.u32 $0xD0000000, s2;
	s6 =	simm.s32 $0x108;
	_ =	swait.ge @!p0 [sflag:s8], $0x0  }
0x24: {  	s3 =	sadd.s32 $0x88, s3;
	s6 =	simm.s32 @!p1 $0x1082;
	[sflag:s4] =	ssyncset.s32 $0xFFFFF086  }
0x25: {  	[simem:s6], [sflag:s4] =	dma.local [hbm:s3], $0xF7A  }
0x26: {  	[smem:$0x3F9B] =	sst s1;
	(tag) =	ssettag s2;
	_ =	strace s9  }
0x27: {  	s1 =	sld [smem:$0x3FAB]  }
0x28: {  	s2 =	sld [smem:$0x3FAC]  }
0x29: {  	s4 =	sld [smem:$0x3FAE]  }
0x2a: {  	p0 =	seq.s32 s5, $0x0;
	s5 =	sld [smem:$0x3FAF]  }
0x2b: {  	s6 =	sld [smem:$0x3FB0]  }
0x2c: {  	s7 =	sld [smem:$0x3FB1]  }
0x2d: {  	s3 =	simm.s32 $0x108;
	s8 =	sld [smem:$0x3FB2]  }
0x2e: {  	s3 =	simm.s32 @!p0 $0x1082;
	s9 =	sld [smem:$0x3FB3]  }
0x2f: {  	lr =	sadd.s32 s0, s3;
	s0 =	sld [smem:$0x3FAA]  }
0x30: {  	s3 =	sld [smem:$0x3FAD]  }
0x31: {  	[smem:$0x3FB6] =	sst s10  }
0x32: {  	s10 =	sld [smem:$0x3FB4];
	_ =	sdelay $0x3  }
0x33: {  	p0 =	seq.s32 s10, $0x1;
	s10 =	sld [smem:$0x3FB6];
	_ =	sdelay $0x3  }
0x34: {  	[smem:$0x3FB6] =	sst s10  }
0x35: {  	s10 =	sld [smem:$0x3FB5];
	_ =	sdelay $0x3  }
0x36: {  	p1 =	seq.s32 s10, $0x1;
	s10 =	sld [smem:$0x3FB6];
	_ =	sdelay $0x3  }
0x37: {  	[smem:$0x3FB6] =	sst s10  }
0x38: {  	s10 =	sld [smem:$0x3FB7]  }
0x39: {  	_ = 	snop;
	(pc) =	sbr.ind lr, $3  }
0x3a: {  	_ = 	snop  }
0x3b: {  	_ = 	snop  }
0x3c: {  	p2 =	seq.s32 s10, $0x1;
	s10 =	sld [smem:$0x3FB6]  }
0x3d: {  	_ =	shalt  }
0x3e: {  	_ =	shalt  }
0x3f: {  	_ =	shalt  }
0x40: {  	_ =	shalt  }
0x41: {  	_ =	shalt  }
0x42: {  	_ =	shalt  }
0x43: {  	_ =	shalt  }
0x44: {  	_ =	shalt  }
0x45: {  	_ =	shalt  }
0x46: {  	_ =	shalt  }
0x47: {  	_ =	shalt  }
0x48: {  	_ =	shalt  }
0x49: {  	_ =	shalt  }
0x4a: {  	_ =	shalt  }
0x4b: {  	_ =	shalt  }
0x4c: {  	_ =	shalt  }
0x4d: {  	_ =	shalt  }
0x4e: {  	_ =	shalt  }
0x4f: {  	_ =	shalt  }
0x50: {  	_ =	shalt  }
0x51: {  	_ =	shalt  }
0x52: {  	_ =	shalt  }
0x53: {  	_ =	shalt  }
0x54: {  	_ =	shalt  }
0x55: {  	_ =	shalt  }
0x56: {  	_ =	shalt  }
0x57: {  	_ =	shalt  }
0x58: {  	_ =	shalt  }
0x59: {  	_ =	shalt  }
0x5a: {  	_ =	shalt  }
0x5b: {  	_ =	shalt  }
0x5c: {  	_ =	shalt  }
0x5d: {  	_ =	shalt  }
0x5e: {  	_ =	shalt  }
0x5f: {  	_ =	shalt  }
0x60: {  	_ =	shalt  }
0x61: {  	_ =	shalt  }
0x62: {  	_ =	shalt  }
0x63: {  	_ =	shalt  }
0x64: {  	_ =	shalt  }
0x65: {  	_ =	shalt  }
0x66: {  	_ =	shalt  }
0x67: {  	_ =	shalt  }
0x68: {  	_ =	shalt  }
0x69: {  	_ =	shalt  }
0x6a: {  	_ =	shalt  }
0x6b: {  	_ =	shalt  }
0x6c: {  	_ =	shalt  }
0x6d: {  	_ =	shalt  }
0x6e: {  	_ =	shalt  }
0x6f: {  	_ =	shalt  }
0x70: {  	_ =	shalt  }
0x71: {  	_ =	shalt  }
0x72: {  	_ =	shalt  }
0x73: {  	_ =	shalt  }
0x74: {  	_ =	shalt  }
0x75: {  	_ =	shalt  }
0x76: {  	_ =	shalt  }
0x77: {  	_ =	shalt  }
0x78: {  	_ =	shalt  }
0x79: {  	_ =	shalt  }
0x7a: {  	_ =	shalt  }
0x7b: {  	_ =	shalt  }
0x7c: {  	_ =	shalt  }
0x7d: {  	_ =	shalt  }
0x7e: {  	_ =	shalt  }
0x7f: {  	_ =	shalt  }
0x80: {  	_ =	shalt  }
0x81: {  	_ =	shalt  }
0x82: {  	_ =	shalt  }
0x83: {  	_ =	shalt  }
0x84: {  	_ =	shalt  }
0x85: {  	_ =	shalt  }
0x86: {  	_ =	shalt  }
0x87: {  	_ =	shalt  }
.Lfunc_end0:
.L_simem_size_0:
called_computation.1_lowered:
.L_overlay_start_0:
0x88: {  	s2 =	sld [smem:$0x3FD9]  }
0x89: {  	s3 =	sld [smem:$0x3FFE];
	_ =	sdelay $0x1  }
0x8a: {  	s1 =	srdreg.scid  }
0x8b: {  	s0 =	sand.u32 $0x1, s1  }
0x8c: {  	s17 =	sshll.u32 s0, $0xA;
	s2 =	sadd.s32 s3, s2  }
0x8d: {  	s2 =	sadd.s32 s2, s17  }
0x8e: {  	[smem:$0x3FC2] =	sst s2  }
0x8f: {  	_ = 	snop  }
0x90: {  	(tm) =	ssettm $0x1  }
0x91: {  	s18 =	sld [smem:$0x3FFB];
	_ =	sdelay $0x3  }
0x92: {  	_ =	strace s18  }
0x93: {  	s2 =	sld [smem:$0x3FFC];
	_ =	sdelay $0x3  }
0x94: {  	_ =	strace s2  }
0x95: {  	s2 =	sld [smem:$0x3FFD];
	_ =	sdelay $0x3  }
0x96: {  	_ =	strace s2  }
0x97: {  	_ =	strace $0x8FFFFFFF  }
0x98: {  	s19 =	sld [smem:$0x3FDB];
	_ =	sdelay $0x1  }
0x99: {  	s20 =	simm.s32 $_scs_section_size  }
0x9a: {  	s4 =	simm.s32 $_size__tile_overlayer_lowered;
	s5 =	simm.s32 $_tile_overlayer_lowered  }
0x9b: {  	s6 =	simm.s32 $0x1BFF;
	s21 =	sshll.u32 s5, $0x1;
	s3 =	sadd.s32 s20, s19  }
0x9c: {  	s22 =	simm.s32 $0x0;
	s4 =	sshll.u32 s4, $0x1;
	s5 =	sadd.s32 s21, s3  }
0x9d: {  	[timem:s22], [sflag:s6] =	dma.local [hbm:s5], s4  }
0x9e: {  	_ =	swait.ge [sflag:s6], s4  }
0x9f: {  	s4 =	ssub.s32 $0x0, s4;
	[sflag:s6] =	ssyncset.done $0x0  }
0xa0: {  	[sflag:s6] =	ssyncadd.s32 s4;
	_ =	sdelay $0x1  }
0xa1: {  	s23 =	simm.s32 $0x1B8B  }
0xa2: {  	_ =	swait.ge [sflag:s23], $0x1  }
0xa3: {  	[sflag:s23] =	ssyncset.done $0x0  }
0xa4: {  	[sflag:s23] =	ssyncadd.s32 $0xFFFFFFFF  }
0xa5: {  	s4 =	sld [smem:$0x0]  }
0xa6: {  	s5 =	sand.u32 $0xFFFFFFFE, s1  }
0xa7: {  	p0 =	sne.s32 s1, s5  }
0xa8: {  	s5 =	sshll.u32 @p0 s5, $0xE  }
0xa9: {  	s5 =	sadd.s32 @p0 $0x11B8D, s5;
	s6 =	sshll.u32 @p0 s4, $0x11  }
0xaa: {  	s5 =	sor.u32 @p0 s6, s5  }
0xab: {  	[sflag:s5] =	ssyncadd.remote.s32 @p0 $0x1;
	_ =	sdelay $0x1  }
0xac: {  	s5 =	simm.s32 @p0 $0x1B8D  }
0xad: {  	_ =	swait.eq @p0 [sflag:s5], $0x1  }
0xae: {  	[sflag:s5] =	ssyncadd.s32 @p0 $0xFFFFFFFF  }
0xaf: {  	s6 =	sshll.u32 @!p0 s1, $0xE  }
0xb0: {  	s6 =	sor.u32 @!p0 $0x4000, s6;
	s5 =	simm.s32 @!p0 $0x1B8D  }
0xb1: {  	s4 =	sshll.u32 @!p0 s4, $0x11;
	s6 =	sadd.s32 @!p0 $0x11B8D, s6;
	_ =	swait.eq @!p0 [sflag:s5], $0x1  }
0xb2: {  	s4 =	sor.u32 @!p0 s4, s6;
	[sflag:s5] =	ssyncadd.s32 @!p0 $0xFFFFFFFF  }
0xb3: {  	s25 =	simm.s32 $0x1B8E;
	s24 =	sld [smem:$0x3FFE];
	[sflag:s4] =	ssyncadd.remote.s32 @!p0 $0x1  }
0xb4: {  	s26 =	simm.s32 $execute0_lowered;
	[smem:$0x3FD2] =	sst s25  }
0xb5: {  	s5 =	sshll.u32 s26, $0x1;
	_ =	strace $0x80000049;
	[dreg:$0x1] =	wrdreg $0xFFFFFFFF  }
0xb6: {  	s28 =	simm.s32 $_size_execute0_lowered;
	s3 =	sadd.s32 s3, s5;
	[dreg:$0x0] =	wrdreg $0x0  }
0xb7: {  	s5 =	sshll.u32 s28, $0x1;
	[dreg:$0x2] =	wrdreg s3  }
0xb8: {  	[dreg:$0x3] =	wrdreg s5  }
0xb9: {  	[dreg:$0x4] =	wrdreg $0xC0  }
0xba: {  	_ =	task [dreg:s22], $0x5FFFF  }
0xbb: {  	[dreg:$0x1] =	wrdreg $0xFFFFFFFF  }
0xbc: {  	[dreg:$0x0] =	wrdreg $0x60  }
0xbd: {  	[dreg:$0x2] =	wrdreg s24  }
0xbe: {  	[dreg:$0x3] =	wrdreg $0xA  }
0xbf: {  	_ =	task.clear_ibuf [dreg:s22], $0x4FFFF;
	_ =	strace $0x90000049  }
0xc0: {  	s29 =	simm.s32 $0xA;
	_ =	strace $0x8000004B  }
0xc1: {  	_ =	swait.ge [sflag:s29], $0x1  }
0xc2: {  	[sflag:s29] =	ssyncadd.s32 $0xFFFFFFFF  }
0xc3: {  	_ =	strace $0x9000004B  }
0xc4: {  	_ =	sfence  }
0xc5: {  	s30 =	sld [smem:$0x0];
	_ =	sdelay $0x2  }
0xc6: {  	s31 =	sshll.u32 s1, $0xD;
	s1 =	sshrl.u32 s1, $0x2  }
0xc7: {  	s4 =	sand.u32 $0x4000, s31;
	s1 =	sadd.s32 s1, s30  }
0xc8: {  	s0 =	sor.u32 s4, s0;
	s1 =	sshll.u32 s1, $0x11  }
0xc9: {  	s0 =	sor.u32 s1, s0  }
0xca: {  	s0 =	sadd.s32 $0x8F2B, s0  }
0xcb: {  	[sflag:s0] =	ssyncadd.remote.s32 $0x1  }
0xcc: {  	_ =	sfence.sel $0xFFFF  }
0xcd: {  	[dreg:$0x0] =	wrdreg $0xFFFFFFFF;
	(pc) =	sbr.abs _section_cstart, $3  }
0xce: {  	[dreg:$0x1] =	wrdreg $0xFFFFFFFF  }
0xcf: {  	_ =	task.clear_ibuf [dreg:s22], $0x2FFFF;
	_ =	strace $0x9FFFFFFF  }
0xd0: {  	(tm) =	ssettm $0x7FFFFFFF  }
0xd1: {  	_ =	shalt  }
tec
execute0_lowered:
.L_overlay_start_1:
0x0: {  	(tag) =	ssettag $0x1  }
0x1: {  	s0 =	srdreg.scid  }
0x2: {  	s8 =	stileid.u32;
	s1 =	rddreg [dreg:$0x0];
	s3 =	simm.s32 $0x0  }
0x3: {  	s13 =	simm.s32 $0x28;
	s14 =	simm.s32 $0x2710;
	s15 =	simm.s32 $0x4F10  }
0x4: {  	s16 =	simm.s32 $0x3110;
	s18 =	simm.s32 $0x5910;
	s19 =	simm.s32 $0x3B10  }
0x5: {  	s20 =	simm.s32 $0x6310;
	s21 =	simm.s32 $0x1;
	s22 =	simm.s32 $0x5  }
0x6: {  	s28 =	simm.s32 $0x2;
	s29 =	simm.s32 $0x6;
	s30 =	simm.s32 $0x9  }
0x7: {  	s31 =	simm.s32 $0x3;
	s0 =	sand.u32 $0x1, s0;
	s2 =	sshll.u32 s8, $0x1  }
0x8: {  	s17 =	simm.s32 $0x8;
	s8 =	smul.u32 $0x27100, s8;
	s2 =	sor.u32 s0, s2  }
0x9: {  	[smem:$0x7FF] =	sst s3;
	s3 =	sadd.s32 $0x18A00, s1;
	s5 =	smul.u32 $0x1388, s2  }
0xa: {  	s4 =	sadd.s32 $0x5000, s1;
	s6 =	ssub.s32 $0x2, s0;
	s2 =	smul.u32 $0x9C400, s2  }
0xb: {  	_ =	strace $0x8000004A;
	s0 =	smul.u32 $0x13880, s0;
	s7 =	sshrl.u32 s6, $0x1  }
0xc: {  	s6 =	ssub.s32 s6, s7;
	s5 =	sshrl.u32 s5, $0x3;
	s2 =	sshrl.u32 s2, $0x3  }
0xd: {  	s26 =	smax.u32 s6, $0x1;
	s6 =	simm.s32 $0x0;
	s5 =	sadd.s32 s5, s1  }
0xe: {  	s1 =	sadd.s32 $0x2A7400, s1;
	[dreg:$0x6] =	wrdreg s26;
	s23 =	sadd.s32 $0x2A2400, s5  }
0xf: {  	s26 =	simm.s32 $0x6D10;
	s5 =	sadd.s32 $0x29D400, s5;
	[dreg:$0x2] =	wrdreg s23  }
0x10: {  	s2 =	sadd.s32 s1, s2;
	s1 =	sadd.s32 s8, s1;
	[dreg:$0x3] =	wrdreg s5  }
0x11: {  	s24 =	sadd.s32 $0x13600, s2;
	s0 =	sadd.s32 s0, s1;
	s25 =	sadd.s32 $0x13608, s2  }
0x12: {  	s23 =	simm.s32 $0x40;
	s1 =	simm.s32 $0x7;
	[dreg:$0x4] =	wrdreg s24  }
0x13: {  	[dreg:$0x5] =	wrdreg s25;
	s0 =	sadd.s32 $0x788, s0;
	s24 =	simm.s32 $0x80  }
0x14: {  	s25 =	simm.s32 $0x4510;
	[dreg:$0x7] =	wrdreg s0;
	s0 =	simm.s32 $0x4  }
.LBB2_1:
0x15: {  	[dreg:$0x8] =	wrdreg s6  }
0x16: {  	s2 =	simm.s32 $0x0;
	s5 =	rddreg [dreg:$0x2];
	s11 =	simm.s32 $0xD  }
0x17: {  	[tilespmem:s2], [sflag:$0xD] =	stream.linear.gather [hbm4b:s5+s2], $0x1388, $0x38;
	[tilespmem:$0x7710] =	vst v63  }
0x18: {  	_ =	swait.ge [sflag:s11], $0x1388  }
0x19: {  	[sflag:s11] =	ssyncset.done $0x0  }
0x1a: {  	s7 =	simm.s32 $0x1388;
	s12 =	rddreg [dreg:$0x3];
	[sflag:s11] =	ssyncadd.s32 $0xFFFFEC78  }
0x1b: {  	[tilespmem:s7], [sflag:$0xD] =	stream.linear.gather [hbm4b:s12+s2], $0x1388, $0x38;
	[tilespmem:$0x7710] =	vst v63  }
0x1c: {  	_ =	swait.ge [sflag:s11], $0x1388  }
0x1d: {  	[sflag:s11] =	ssyncset.done $0x0  }
0x1e: {  	[sflag:s11] =	ssyncadd.s32 $0xFFFFEC78  }
0x1f: {  	[tilespmem:s14], [sflag:$0x1] =	stream.indirect.gather [hbm4b:s3+s13], $0x40, s2, s13, $0xb8;
	[tilespmem:$0x7710] =	vst v63  }
0x20: {  	p0 =	por $0x1, $0x1  }
0x21: {  	[tilespmem:s15], [sflag:$0x5] =	stream.indirect.gather [hbm4b:s4+s13], $0x40, s7, s13, $0xb8;
	[tilespmem:$0x7710] =	vst v63  }
0x22: {  	p0 =	por p0, p0  }
0x23: {  	[tilespmem:s16], [sflag:$0x2] =	stream.indirect.gather [hbm4b:s3+s13], $0x40, s13, s13, $0xb8;
	[tilespmem:$0x7710] =	vst v63  }
0x24: {  	s5 =	simm.s32 $0x13B0;
	s2 =	simm.s32 @!p0 $0xB  }
0x25: {  	[tilespmem:s18], [sflag:$0x6] =	stream.indirect.gather [hbm4b:s4+s13], $0x40, s5, s13, $0xb8;
	[tilespmem:$0x7710] =	vst v63  }
0x26: {  	_ =	swait.ge @!p0 [sflag:s2], $0xA00  }
0x27: {  	[sflag:s2] =	ssyncset.done @!p0 $0x0  }
0x28: {  	[sflag:s2] =	ssyncadd.s32 @!p0 $0xFFFFF600  }
0x29: {  	_ =	swait.ge @!p0 [sflag:s2], $0xA00  }
0x2a: {  	[sflag:s2] =	ssyncset.done @!p0 $0x0  }
0x2b: {  	s6 =	simm.s32 $0x50;
	[sflag:s2] =	ssyncadd.s32 @!p0 $0xFFFFF600  }
0x2c: {  	[tilespmem:s19], [sflag:$0x3] =	stream.indirect.gather [hbm4b:s3+s13], $0x40, s6, s13, $0xb8;
	[tilespmem:$0x7710] =	vst v63  }
0x2d: {  	s7 =	simm.s32 $0x13D8  }
0x2e: {  	[tilespmem:s20], [sflag:$0x7] =	stream.indirect.gather [hbm4b:s4+s13], $0x40, s7, s13, $0xb8;
	[tilespmem:$0x7710] =	vst v63  }
0x2f: {  	_ =	swait.ge [sflag:s21], $0xA00  }
0x30: {  	[sflag:s21] =	ssyncset.done $0x0  }
0x31: {  	[sflag:s21] =	ssyncadd.s32 $0xFFFFF600  }
0x32: {  	_ =	swait.ge [sflag:s22], $0xA00  }
0x33: {  	[sflag:s22] =	ssyncset.done $0x0;
	s10 =	rddreg [dreg:$0x7]  }
0x34: {  	[sflag:s22] =	ssyncadd.s32 $0xFFFFF600;
	s8 =	sadd.s32 $0xFFFFF878, s10  }
0x35: {  	[hbm4b:s8+s23] =	stream.strided.scatter [tilespmem:s14], [sflag:$0x9], $0xA00, s24, s23, $0x38;
	[tilespmem:$0x7710] =	vst v63  }
0x36: {  	s5 =	simm.s32 @!p0 $0xC;
	s9 =	sadd.s32 $0xFFFFF880, s10  }
0x37: {  	[hbm4b:s9+s23] =	stream.strided.scatter [tilespmem:s15], [sflag:$0x9], $0xA00, s24, s23, $0x38;
	[tilespmem:$0x7710] =	vst v63  }
0x38: {  	_ =	swait.ge @!p0 [sflag:s5], $0xA00  }
0x39: {  	[sflag:s5] =	ssyncset.done @!p0 $0x0  }
0x3a: {  	[sflag:s5] =	ssyncadd.s32 @!p0 $0xFFFFF600  }
0x3b: {  	_ =	swait.ge @!p0 [sflag:s5], $0xA00  }
0x3c: {  	[sflag:s5] =	ssyncset.done @!p0 $0x0  }
0x3d: {  	s11 =	simm.s32 $0x78;
	[sflag:s5] =	ssyncadd.s32 @!p0 $0xFFFFF600  }
0x3e: {  	[tilespmem:s25], [sflag:$0x4] =	stream.indirect.gather [hbm4b:s3+s13], $0x40, s11, s13, $0xb8;
	[tilespmem:$0x7710] =	vst v63  }
0x3f: {  	s12 =	simm.s32 $0x1400  }
0x40: {  	[tilespmem:s26], [sflag:$0x8] =	stream.indirect.gather [hbm4b:s4+s13], $0x40, s12, s13, $0xb8;
	[tilespmem:$0x7710] =	vst v63  }
0x41: {  	_ =	swait.ge [sflag:s28], $0xA00  }
0x42: {  	[sflag:s28] =	ssyncset.done $0x0  }
0x43: {  	[sflag:s28] =	ssyncadd.s32 $0xFFFFF600  }
0x44: {  	_ =	swait.ge [sflag:s29], $0xA00  }
0x45: {  	[sflag:s29] =	ssyncset.done $0x0  }
0x46: {  	s5 =	sadd.s32 $0xFFFFFAF8, s10;
	[sflag:s29] =	ssyncadd.s32 $0xFFFFF600  }
0x47: {  	[hbm4b:s5+s23] =	stream.strided.scatter [tilespmem:s16], [sflag:$0xA], $0xA00, s24, s23, $0x38;
	[tilespmem:$0x7710] =	vst v63  }
0x48: {  	s6 =	sadd.s32 $0xFFFFFB00, s10  }
0x49: {  	[hbm4b:s6+s23] =	stream.strided.scatter [tilespmem:s18], [sflag:$0xA], $0xA00, s24, s23, $0x38;
	[tilespmem:$0x7710] =	vst v63  }
0x4a: {  	_ =	swait.ge [sflag:s30], $0xA00  }
0x4b: {  	[sflag:s30] =	ssyncset.done $0x0  }
0x4c: {  	[sflag:s30] =	ssyncadd.s32 $0xFFFFF600  }
0x4d: {  	_ =	swait.ge [sflag:s30], $0xA00  }
0x4e: {  	[sflag:s30] =	ssyncset.done $0x0  }
0x4f: {  	s7 =	simm.s32 $0xA0;
	[sflag:s30] =	ssyncadd.s32 $0xFFFFF600  }
0x50: {  	[tilespmem:s14], [sflag:$0x1] =	stream.indirect.gather [hbm4b:s3+s13], $0x40, s7, s13, $0xb8;
	[tilespmem:$0x7710] =	vst v63  }
0x51: {  	s8 =	simm.s32 $0x1428  }
0x52: {  	[tilespmem:s15], [sflag:$0x5] =	stream.indirect.gather [hbm4b:s4+s13], $0x40, s8, s13, $0xb8;
	[tilespmem:$0x7710] =	vst v63  }
0x53: {  	_ =	swait.ge [sflag:s31], $0xA00  }
0x54: {  	[sflag:s31] =	ssyncset.done $0x0  }
0x55: {  	[sflag:s31] =	ssyncadd.s32 $0xFFFFF600  }
0x56: {  	_ =	swait.ge [sflag:s1], $0xA00  }
0x57: {  	[sflag:s1] =	ssyncset.done $0x0  }
0x58: {  	s9 =	sadd.s32 $0xFFFFFD78, s10;
	p0 =	por $0x0, $0x0;
	[sflag:s1] =	ssyncadd.s32 $0xFFFFF600  }
0x59: {  	[hbm4b:s9+s23] =	stream.strided.scatter [tilespmem:s19], [sflag:$0xB], $0xA00, s24, s23, $0x38;
	[tilespmem:$0x7710] =	vst v63  }
0x5a: {  	s11 =	sadd.s32 $0xFFFFFD80, s10;
	s2 =	simm.s32 @!p0 $0xA  }
0x5b: {  	[hbm4b:s11+s23] =	stream.strided.scatter [tilespmem:s20], [sflag:$0xB], $0xA00, s24, s23, $0x38;
	[tilespmem:$0x7710] =	vst v63  }
0x5c: {  	_ =	swait.ge @!p0 [sflag:s2], $0xA00  }
0x5d: {  	[sflag:s2] =	ssyncset.done @!p0 $0x0  }
0x5e: {  	[sflag:s2] =	ssyncadd.s32 @!p0 $0xFFFFF600  }
0x5f: {  	_ =	swait.ge @!p0 [sflag:s2], $0xA00  }
0x60: {  	s5 =	simm.s32 @!p0 $0xC8;
	[sflag:s2] =	ssyncset.done @!p0 $0x0  }
0x61: {  	s6 =	simm.s32 @!p0 $0x28;
	s8 =	simm.s32 @!p0 $0x3110;
	[sflag:s2] =	ssyncadd.s32 @!p0 $0xFFFFF600  }
0x62: {  	[tilespmem:s8], [sflag:$0x2] =	stream.indirect.gather @!p0 [hbm4b:s3+s6], $0x40, s5, s6, $0xb8;
	[tilespmem:$0x7710] =	vst v63  }
0x63: {  	s2 =	simm.s32 @!p0 $0x1450;
	s5 =	simm.s32 @!p0 $0x5910  }
0x64: {  	[tilespmem:s5], [sflag:$0x6] =	stream.indirect.gather @!p0 [hbm4b:s4+s6], $0x40, s2, s6, $0xb8;
	[tilespmem:$0x7710] =	vst v63  }
0x65: {  	_ =	swait.ge [sflag:s0], $0xA00  }
0x66: {  	[sflag:s0] =	ssyncset.done $0x0  }
0x67: {  	[sflag:s0] =	ssyncadd.s32 $0xFFFFF600  }
0x68: {  	p6 =	por $0x0, $0x0;
	s12 =	sadd.s32 $0xFFFFFFF8, s10;
	_ =	swait.ge [sflag:s17], $0xA00  }
0x69: {  	s9 =	simm.s32 $0x280;
	s8 =	sadd.s32 $0xA00, s10;
	[sflag:s17] =	ssyncset.done $0x0  }
0x6a: {  	s2 =	simm.s32 $0x500;
	p0 =	por p6, p6;
	[sflag:s17] =	ssyncadd.s32 $0xFFFFF600  }
0x6b: {  	[hbm4b:s12+s23] =	stream.strided.scatter [tilespmem:s25], [sflag:$0xC], $0xA00, s24, s23, $0x38;
	[tilespmem:$0x7710] =	vst v63  }
.LBB2_2:
0x6c: {  	p2 =	seq.s32 s2, $0x0  }
0x6d: {  	s12 =	simm.s32 @!p0 $0xB;
	s5 =	smov.u32 s2;
	s2 =	sadd.s32 $0x280, s2  }
0x6e: {  	[hbm4b:s10+s23] =	stream.strided.scatter [tilespmem:s26], [sflag:$0xC], $0xA00, s24, s23, $0x38;
	[tilespmem:$0x7710] =	vst v63  }
0x6f: {  	p1 =	sne.s32 s2, $0x4D80;
	s10 =	smov.u32 s8;
	_ =	swait.ge @!p0 [sflag:s12], $0xA00  }
0x70: {  	[sflag:s12] =	ssyncset.done @!p0 $0x0  }
0x71: {  	[sflag:s12] =	ssyncadd.s32 @!p0 $0xFFFFF600  }
0x72: {  	_ =	swait.ge @!p0 [sflag:s12], $0xA00  }
0x73: {  	s6 =	sshra.s32 s9, $0x2;
	[sflag:s12] =	ssyncset.done @!p0 $0x0  }
0x74: {  	[sflag:s12] =	ssyncadd.s32 @!p0 $0xFFFFF600;
	s12 =	sadd.s32 $0x50, s6  }
0x75: {  	[tilespmem:s19], [sflag:$0x3] =	stream.indirect.gather [hbm4b:s3+s13], $0x40, s12, s13, $0xb8;
	[tilespmem:$0x7710] =	vst v63  }
0x76: {  	s12 =	sadd.s32 $0x13D8, s6  }
0x77: {  	[tilespmem:s20], [sflag:$0x7] =	stream.indirect.gather [hbm4b:s4+s13], $0x40, s12, s13, $0xb8;
	[tilespmem:$0x7710] =	vst v63  }
0x78: {  	_ =	swait.ge [sflag:s21], $0xA00  }
0x79: {  	[sflag:s21] =	ssyncset.done $0x0  }
0x7a: {  	[sflag:s21] =	ssyncadd.s32 $0xFFFFF600  }
0x7b: {  	_ =	swait.ge [sflag:s22], $0xA00  }
0x7c: {  	[sflag:s22] =	ssyncset.done $0x0  }
0x7d: {  	s12 =	sadd.s32 $0xFFFFF878, s8;
	[sflag:s22] =	ssyncadd.s32 $0xFFFFF600  }
0x7e: {  	[hbm4b:s12+s23] =	stream.strided.scatter [tilespmem:s14], [sflag:$0x9], $0xA00, s24, s23, $0x38;
	[tilespmem:$0x7710] =	vst v63  }
0x7f: {  	s7 =	simm.s32 @!p0 $0xC;
	s12 =	sadd.s32 $0xFFFFF880, s8  }
0x80: {  	[hbm4b:s12+s23] =	stream.strided.scatter [tilespmem:s15], [sflag:$0x9], $0xA00, s24, s23, $0x38;
	[tilespmem:$0x7710] =	vst v63  }
0x81: {  	_ =	swait.ge @!p0 [sflag:s7], $0xA00  }
0x82: {  	[sflag:s7] =	ssyncset.done @!p0 $0x0  }
0x83: {  	[sflag:s7] =	ssyncadd.s32 @!p0 $0xFFFFF600  }
0x84: {  	_ =	swait.ge @!p0 [sflag:s7], $0xA00  }
0x85: {  	[sflag:s7] =	ssyncset.done @!p0 $0x0  }
0x86: {  	[sflag:s7] =	ssyncadd.s32 @!p0 $0xFFFFF600;
	s7 =	sadd.s32 $0x78, s6;
	p0 =	por p2, p2  }
0x87: {  	[tilespmem:s25], [sflag:$0x4] =	stream.indirect.gather [hbm4b:s3+s13], $0x40, s7, s13, $0xb8;
	[tilespmem:$0x7710] =	vst v63  }
0x88: {  	s7 =	sadd.s32 $0x1400, s6  }
0x89: {  	[tilespmem:s26], [sflag:$0x8] =	stream.indirect.gather [hbm4b:s4+s13], $0x40, s7, s13, $0xb8;
	[tilespmem:$0x7710] =	vst v63  }
0x8a: {  	_ =	swait.ge [sflag:s28], $0xA00  }
0x8b: {  	[sflag:s28] =	ssyncset.done $0x0  }
0x8c: {  	[sflag:s28] =	ssyncadd.s32 $0xFFFFF600  }
0x8d: {  	_ =	swait.ge [sflag:s29], $0xA00  }
0x8e: {  	[sflag:s29] =	ssyncset.done $0x0  }
0x8f: {  	s7 =	sadd.s32 $0xFFFFFAF8, s8;
	[sflag:s29] =	ssyncadd.s32 $0xFFFFF600  }
0x90: {  	[hbm4b:s7+s23] =	stream.strided.scatter [tilespmem:s16], [sflag:$0xA], $0xA00, s24, s23, $0x38;
	[tilespmem:$0x7710] =	vst v63  }
0x91: {  	s7 =	sadd.s32 $0xFFFFFB00, s8  }
0x92: {  	[hbm4b:s7+s23] =	stream.strided.scatter [tilespmem:s18], [sflag:$0xA], $0xA00, s24, s23, $0x38;
	[tilespmem:$0x7710] =	vst v63  }
0x93: {  	_ =	swait.ge [sflag:s30], $0xA00  }
0x94: {  	[sflag:s30] =	ssyncset.done $0x0  }
0x95: {  	[sflag:s30] =	ssyncadd.s32 $0xFFFFF600  }
0x96: {  	_ =	swait.ge [sflag:s30], $0xA00  }
0x97: {  	[sflag:s30] =	ssyncset.done $0x0  }
0x98: {  	s7 =	sadd.s32 $0xA0, s6;
	[sflag:s30] =	ssyncadd.s32 $0xFFFFF600  }
0x99: {  	[tilespmem:s14], [sflag:$0x1] =	stream.indirect.gather [hbm4b:s3+s13], $0x40, s7, s13, $0xb8;
	[tilespmem:$0x7710] =	vst v63  }
0x9a: {  	s6 =	sadd.s32 $0x1428, s6  }
0x9b: {  	[tilespmem:s15], [sflag:$0x5] =	stream.indirect.gather [hbm4b:s4+s13], $0x40, s6, s13, $0xb8;
	[tilespmem:$0x7710] =	vst v63  }
0x9c: {  	_ =	swait.ge [sflag:s31], $0xA00  }
0x9d: {  	[sflag:s31] =	ssyncset.done $0x0  }
0x9e: {  	[sflag:s31] =	ssyncadd.s32 $0xFFFFF600  }
0x9f: {  	_ =	swait.ge [sflag:s1], $0xA00  }
0xa0: {  	[sflag:s1] =	ssyncset.done $0x0  }
0xa1: {  	s6 =	sadd.s32 $0xFFFFFD78, s8;
	[sflag:s1] =	ssyncadd.s32 $0xFFFFF600  }
0xa2: {  	[hbm4b:s6+s23] =	stream.strided.scatter [tilespmem:s19], [sflag:$0xB], $0xA00, s24, s23, $0x38;
	[tilespmem:$0x7710] =	vst v63  }
0xa3: {  	p2 =	seq.s32 s9, $0x4B00;
	s6 =	sadd.s32 $0xFFFFFD80, s8  }
0xa4: {  	[hbm4b:s6+s23] =	stream.strided.scatter [tilespmem:s20], [sflag:$0xB], $0xA00, s24, s23, $0x38;
	[tilespmem:$0x7710] =	vst v63  }
0xa5: {  	s7 =	sshra.s32 @!p2 s9, $0x2;
	s9 =	smov.u32 s5;
	s6 =	simm.s32 @!p2 $0xA  }
0xa6: {  	s5 =	sadd.s32 @!p2 $0xC8, s7;
	s7 =	sadd.s32 @!p2 $0x1450, s7;
	_ =	swait.ge @!p2 [sflag:s6], $0xA00  }
0xa7: {  	[sflag:s6] =	ssyncset.done @!p2 $0x0  }
0xa8: {  	[sflag:s6] =	ssyncadd.s32 @!p2 $0xFFFFF600  }
0xa9: {  	_ =	swait.ge @!p2 [sflag:s6], $0xA00  }
0xaa: {  	s12 =	simm.s32 @!p2 $0x28;
	s11 =	simm.s32 @!p2 $0x3110;
	[sflag:s6] =	ssyncset.done @!p2 $0x0  }
0xab: {  	[sflag:s6] =	ssyncadd.s32 @!p2 $0xFFFFF600;
	s6 =	simm.s32 @!p2 $0x5910  }
0xac: {  	[tilespmem:s11], [sflag:$0x2] =	stream.indirect.gather @!p2 [hbm4b:s3+s12], $0x40, s5, s12, $0xb8;
	[tilespmem:$0x7710] =	vst v63  }
0xad: {  	_ = 	snop  }
0xae: {  	[tilespmem:s6], [sflag:$0x6] =	stream.indirect.gather @!p2 [hbm4b:s4+s12], $0x40, s7, s12, $0xb8;
	[tilespmem:$0x7710] =	vst v63  }
0xaf: {  	_ =	swait.ge [sflag:s0], $0xA00  }
0xb0: {  	[sflag:s0] =	ssyncset.done $0x0  }
.Ltmp0:
0xb1: {  	[sflag:s0] =	ssyncadd.s32 $0xFFFFF600;
	(pc) =	sbr.rel @p1 .LBB2_2-.Ltmp0, $4  }
0xb2: {  	_ =	swait.ge [sflag:s17], $0xA00  }
0xb3: {  	s5 =	sadd.s32 $0xFFFFFFF8, s8;
	[sflag:s17] =	ssyncset.done $0x0  }
0xb4: {  	s8 =	sadd.s32 $0xA00, s8;
	[sflag:s17] =	ssyncadd.s32 $0xFFFFF600  }
0xb5: {  	[hbm4b:s5+s23] =	stream.strided.scatter [tilespmem:s25], [sflag:$0xC], $0xA00, s24, s23, $0x38;
	[tilespmem:$0x7710] =	vst v63  }
0xb6: {  	s2 =	simm.s32 @!p0 $0xB  }
0xb7: {  	[hbm4b:s10+s23] =	stream.strided.scatter [tilespmem:s26], [sflag:$0xC], $0xA00, s24, s23, $0x38;
	[tilespmem:$0x7710] =	vst v63  }
0xb8: {  	_ =	swait.ge @!p0 [sflag:s2], $0xA00  }
0xb9: {  	[sflag:s2] =	ssyncset.done @!p0 $0x0  }
0xba: {  	[sflag:s2] =	ssyncadd.s32 @!p0 $0xFFFFF600  }
0xbb: {  	_ =	swait.ge @!p0 [sflag:s2], $0xA00  }
0xbc: {  	s5 =	sshra.s32 s9, $0x2;
	[sflag:s2] =	ssyncset.done @!p0 $0x0  }
0xbd: {  	s11 =	sadd.s32 $0x50, s5;
	[sflag:s2] =	ssyncadd.s32 @!p0 $0xFFFFF600  }
0xbe: {  	[tilespmem:s19], [sflag:$0x3] =	stream.indirect.gather [hbm4b:s3+s13], $0x40, s11, s13, $0xb8;
	[tilespmem:$0x7710] =	vst v63  }
0xbf: {  	s12 =	sadd.s32 $0x13D8, s5  }
0xc0: {  	[tilespmem:s20], [sflag:$0x7] =	stream.indirect.gather [hbm4b:s4+s13], $0x40, s12, s13, $0xb8;
	[tilespmem:$0x7710] =	vst v63  }
0xc1: {  	_ =	swait.ge [sflag:s21], $0xA00  }
0xc2: {  	[sflag:s21] =	ssyncset.done $0x0  }
0xc3: {  	[sflag:s21] =	ssyncadd.s32 $0xFFFFF600  }
0xc4: {  	_ =	swait.ge [sflag:s22], $0xA00  }
0xc5: {  	[sflag:s22] =	ssyncset.done $0x0  }
0xc6: {  	s6 =	sadd.s32 $0xFFFFF878, s8;
	[sflag:s22] =	ssyncadd.s32 $0xFFFFF600  }
0xc7: {  	[hbm4b:s6+s23] =	stream.strided.scatter [tilespmem:s14], [sflag:$0x9], $0xA00, s24, s23, $0x38;
	[tilespmem:$0x7710] =	vst v63  }
0xc8: {  	s7 =	sadd.s32 $0xFFFFF880, s8;
	s6 =	simm.s32 @!p0 $0xC  }
0xc9: {  	[hbm4b:s7+s23] =	stream.strided.scatter [tilespmem:s15], [sflag:$0x9], $0xA00, s24, s23, $0x38;
	[tilespmem:$0x7710] =	vst v63  }
0xca: {  	_ =	swait.ge @!p0 [sflag:s6], $0xA00  }
0xcb: {  	[sflag:s6] =	ssyncset.done @!p0 $0x0  }
0xcc: {  	[sflag:s6] =	ssyncadd.s32 @!p0 $0xFFFFF600  }
0xcd: {  	_ =	swait.ge @!p0 [sflag:s6], $0xA00  }
0xce: {  	[sflag:s6] =	ssyncset.done @!p0 $0x0  }
0xcf: {  	s10 =	sadd.s32 $0x78, s5;
	[sflag:s6] =	ssyncadd.s32 @!p0 $0xFFFFF600  }
0xd0: {  	[tilespmem:s25], [sflag:$0x4] =	stream.indirect.gather [hbm4b:s3+s13], $0x40, s10, s13, $0xb8;
	[tilespmem:$0x7710] =	vst v63  }
0xd1: {  	s11 =	sadd.s32 $0x1400, s5  }
0xd2: {  	[tilespmem:s26], [sflag:$0x8] =	stream.indirect.gather [hbm4b:s4+s13], $0x40, s11, s13, $0xb8;
	[tilespmem:$0x7710] =	vst v63  }
0xd3: {  	_ =	swait.ge [sflag:s28], $0xA00  }
0xd4: {  	[sflag:s28] =	ssyncset.done $0x0  }
0xd5: {  	[sflag:s28] =	ssyncadd.s32 $0xFFFFF600  }
0xd6: {  	_ =	swait.ge [sflag:s29], $0xA00  }
0xd7: {  	[sflag:s29] =	ssyncset.done $0x0  }
0xd8: {  	s12 =	sadd.s32 $0xFFFFFAF8, s8;
	[sflag:s29] =	ssyncadd.s32 $0xFFFFF600  }
0xd9: {  	[hbm4b:s12+s23] =	stream.strided.scatter [tilespmem:s16], [sflag:$0xA], $0xA00, s24, s23, $0x38;
	[tilespmem:$0x7710] =	vst v63  }
0xda: {  	s6 =	sadd.s32 $0xFFFFFB00, s8  }
0xdb: {  	[hbm4b:s6+s23] =	stream.strided.scatter [tilespmem:s18], [sflag:$0xA], $0xA00, s24, s23, $0x38;
	[tilespmem:$0x7710] =	vst v63  }
0xdc: {  	_ =	swait.ge [sflag:s30], $0xA00  }
0xdd: {  	[sflag:s30] =	ssyncset.done $0x0  }
0xde: {  	[sflag:s30] =	ssyncadd.s32 $0xFFFFF600  }
0xdf: {  	_ =	swait.ge [sflag:s30], $0xA00  }
0xe0: {  	[sflag:s30] =	ssyncset.done $0x0  }
0xe1: {  	s7 =	sadd.s32 $0xA0, s5;
	[sflag:s30] =	ssyncadd.s32 $0xFFFFF600  }
0xe2: {  	[tilespmem:s14], [sflag:$0x1] =	stream.indirect.gather [hbm4b:s3+s13], $0x40, s7, s13, $0xb8;
	[tilespmem:$0x7710] =	vst v63  }
0xe3: {  	s10 =	sadd.s32 $0x1428, s5  }
0xe4: {  	[tilespmem:s15], [sflag:$0x5] =	stream.indirect.gather [hbm4b:s4+s13], $0x40, s10, s13, $0xb8;
	[tilespmem:$0x7710] =	vst v63  }
0xe5: {  	_ =	swait.ge [sflag:s31], $0xA00  }
0xe6: {  	[sflag:s31] =	ssyncset.done $0x0  }
0xe7: {  	[sflag:s31] =	ssyncadd.s32 $0xFFFFF600  }
0xe8: {  	_ =	swait.ge [sflag:s1], $0xA00  }
0xe9: {  	[sflag:s1] =	ssyncset.done $0x0  }
0xea: {  	p0 =	seq.s32 s9, $0x4B00;
	s11 =	sadd.s32 $0xFFFFFD78, s8;
	[sflag:s1] =	ssyncadd.s32 $0xFFFFF600  }
0xeb: {  	[hbm4b:s11+s23] =	stream.strided.scatter [tilespmem:s19], [sflag:$0xB], $0xA00, s24, s23, $0x38;
	[tilespmem:$0x7710] =	vst v63  }
0xec: {  	s2 =	simm.s32 @!p0 $0xA;
	s12 =	sadd.s32 $0xFFFFFD80, s8  }
0xed: {  	[hbm4b:s12+s23] =	stream.strided.scatter [tilespmem:s20], [sflag:$0xB], $0xA00, s24, s23, $0x38;
	[tilespmem:$0x7710] =	vst v63  }
0xee: {  	_ =	swait.ge @!p0 [sflag:s2], $0xA00  }
0xef: {  	[sflag:s2] =	ssyncset.done @!p0 $0x0  }
0xf0: {  	[sflag:s2] =	ssyncadd.s32 @!p0 $0xFFFFF600  }
0xf1: {  	s5 =	sshra.s32 @!p0 s9, $0x2;
	_ =	swait.ge @!p0 [sflag:s2], $0xA00  }
0xf2: {  	s6 =	sadd.s32 @!p0 $0xC8, s5;
	[sflag:s2] =	ssyncset.done @!p0 $0x0  }
0xf3: {  	s7 =	simm.s32 @!p0 $0x28;
	[sflag:s2] =	ssyncadd.s32 @!p0 $0xFFFFF600;
	s2 =	simm.s32 @!p0 $0x3110  }
0xf4: {  	[tilespmem:s2], [sflag:$0x2] =	stream.indirect.gather @!p0 [hbm4b:s3+s7], $0x40, s6, s7, $0xb8;
	[tilespmem:$0x7710] =	vst v63  }
0xf5: {  	s2 =	sadd.s32 @!p0 $0x1450, s5;
	s5 =	simm.s32 @!p0 $0x5910  }
0xf6: {  	[tilespmem:s5], [sflag:$0x6] =	stream.indirect.gather @!p0 [hbm4b:s4+s7], $0x40, s2, s7, $0xb8;
	[tilespmem:$0x7710] =	vst v63  }
0xf7: {  	_ =	swait.ge [sflag:s0], $0xA00  }
0xf8: {  	[sflag:s0] =	ssyncset.done $0x0  }
0xf9: {  	[sflag:s0] =	ssyncadd.s32 $0xFFFFF600  }
0xfa: {  	_ =	swait.ge [sflag:s17], $0xA00  }
0xfb: {  	[sflag:s17] =	ssyncset.done $0x0  }
0xfc: {  	s5 =	sadd.s32 $0xFFFFFFF8, s8;
	[sflag:s17] =	ssyncadd.s32 $0xFFFFF600  }
0xfd: {  	[hbm4b:s5+s23] =	stream.strided.scatter [tilespmem:s25], [sflag:$0xC], $0xA00, s24, s23, $0x38;
	[tilespmem:$0x7710] =	vst v63  }
0xfe: {  	_ = 	snop  }
0xff: {  	[hbm4b:s8+s23] =	stream.strided.scatter [tilespmem:s26], [sflag:$0xC], $0xA00, s24, s23, $0x38;
	[tilespmem:$0x7710] =	vst v63  }
0x100: {  	_ =	swait.ge [sflag:s21], $0xA00  }
0x101: {  	[sflag:s21] =	ssyncset.done $0x0  }
0x102: {  	[sflag:s21] =	ssyncadd.s32 $0xFFFFF600  }
0x103: {  	_ =	swait.ge [sflag:s22], $0xA00  }
0x104: {  	[sflag:s22] =	ssyncset.done $0x0  }
0x105: {  	s6 =	rddreg [dreg:$0x4];
	[sflag:s22] =	ssyncadd.s32 $0xFFFFF600  }
0x106: {  	[hbm4b:s6+s23] =	stream.strided.scatter [tilespmem:s14], [sflag:$0x9], $0xA00, s24, s23, $0x38;
	[tilespmem:$0x7710] =	vst v63  }
0x107: {  	s7 =	rddreg [dreg:$0x5]  }
0x108: {  	[hbm4b:s7+s23] =	stream.strided.scatter [tilespmem:s15], [sflag:$0x9], $0xA00, s24, s23, $0x38;
	[tilespmem:$0x7710] =	vst v63  }
0x109: {  	_ =	swait.ge [sflag:s30], $0xA00  }
0x10a: {  	[sflag:s30] =	ssyncset.done $0x0  }
0x10b: {  	[sflag:s30] =	ssyncadd.s32 $0xFFFFF600  }
0x10c: {  	_ =	swait.ge [sflag:s30], $0xA00  }
0x10d: {  	[sflag:s30] =	ssyncset.done $0x0  }
0x10e: {  	s8 =	simm.s32 $0xA;
	[sflag:s30] =	ssyncadd.s32 $0xFFFFF600  }
0x10f: {  	_ =	swait.ge [sflag:s8], $0xA00  }
0x110: {  	[sflag:s8] =	ssyncset.done $0x0  }
0x111: {  	[sflag:s8] =	ssyncadd.s32 $0xFFFFF600  }
0x112: {  	_ =	swait.ge [sflag:s8], $0xA00  }
0x113: {  	[sflag:s8] =	ssyncset.done $0x0  }
0x114: {  	s9 =	simm.s32 $0xB;
	[sflag:s8] =	ssyncadd.s32 $0xFFFFF600  }
0x115: {  	_ =	swait.ge [sflag:s9], $0xA00  }
0x116: {  	[sflag:s9] =	ssyncset.done $0x0  }
0x117: {  	[sflag:s9] =	ssyncadd.s32 $0xFFFFF600  }
0x118: {  	_ =	swait.ge [sflag:s9], $0xA00  }
0x119: {  	[sflag:s9] =	ssyncset.done $0x0  }
0x11a: {  	s10 =	simm.s32 $0xC;
	[sflag:s9] =	ssyncadd.s32 $0xFFFFF600  }
0x11b: {  	_ =	swait.ge [sflag:s10], $0xA00  }
0x11c: {  	[sflag:s10] =	ssyncset.done $0x0  }
0x11d: {  	[sflag:s10] =	ssyncadd.s32 $0xFFFFF600  }
0x11e: {  	_ =	swait.ge [sflag:s10], $0xA00  }
0x11f: {  	s11 =	rddreg [dreg:$0x8]  }
0x120: {  	s12 =	rddreg [dreg:$0x6];
	s6 =	sadd.s32 $0x1, s11  }
0x121: {  	p0 =	sne.s32 s6, s12  }
.Ltmp1:
0x122: {  	_ = 	snop;
	(pc) =	sbr.rel @p0 .LBB2_1-.Ltmp1, $3  }
0x123: {  	_ =	sdelay $0x1  }
0x124: {  	[sflag:s10] =	ssyncset.done $0x0  }
0x125: {  	[sflag:s10] =	ssyncadd.s32 $0xFFFFF600  }
0x126: {  	_ =	sfence.sel $0x180000  }
0x127: {  	[bflag:$0x0] =	sbarrier.arrive $0xFFFF  }
0x128: {  	_ =	strace $0x9000004A  }
0x129: {  	s0 =	stileid.u32;
	[bflag:$0x2] =	sbarrier.arrive $0xFFFF  }
0x12a: {  	p0 =	sne.s32 s0, $0x0;
	s0 =	rddreg [dreg:$0x1]  }
0x12b: {  	s0 =	sadd.s32 @!p0 $0x100000, s0  }
0x12c: {  	[sflag:s0] =	ssyncadd.tile.s32 @!p0 $0x1;
	_ =	shalt  }
.Lfunc_end2:
_tile_overlayer_lowered:
.L_overlay_start_2:
0x12d: {  	(tag) =	ssettag $0x2  }
0x12e: {  	s0 =	rddreg [dreg:$0x0];
	s2 =	stileid.u32  }
0x12f: {  	s1 =	rddreg [dreg:$0x1];
	p0 =	sne.s32 s2, $0x0  }
0x130: {  	s3 =	rddreg [dreg:$0x2];
	[bflag:$0x3] =	sbarrier.arrive $0xFFFF;
	s2 =	simm.s32 @!p0 $0x1C0D  }
0x131: {  	[timem:s3], [sflag:s2] =	dma.local @!p0 [hbm:s0], s1  }
0x132: {  	s0 =	simm.s32 @!p0 $0xD  }
0x133: {  	_ =	swait.ge @!p0 [sflag:s0], s1  }
0x134: {  	s1 =	ssub.s32 @!p0 $0x0, s1;
	[sflag:s0] =	ssyncset.done @!p0 $0x0  }
0x135: {  	[sflag:s0] =	ssyncadd.s32 @!p0 s1  }
0x136: {  	[bflag:$0x3] =	sbarrier.arrive $0xFFFF  }
0x137: {  	_ =	shalt  }

// kernel: kernel.7.cloned.1.call-start
scs
__scs_entry_jumppad:
0x0: {  	(pc) =	sbr.rel $0x88, $3  }
0x1: {  	(tag) =	ssettag $0x0;
	lr =	simm.s32 $0x1  }
0x2: {  	[smem:$0x3F9B] =	sst lr;
	_ =	strace $0xD0000000  }
0x3: {  	_ = 	snop  }
0x4: {  	_ = 	snop  }
0x5: {  	_ = 	snop  }
0x6: {  	_ = 	snop  }
0x7: {  	_ = 	snop  }
__scs_overlays_trampoline_lowered:
0x8: {  	[smem:$0x3FAA] =	sst s0  }
0x9: {  	[smem:$0x3FAB] =	sst s1  }
0xa: {  	[smem:$0x3FAC] =	sst s2  }
0xb: {  	[smem:$0x3FAD] =	sst s3  }
0xc: {  	[smem:$0x3FAE] =	sst s4  }
0xd: {  	[smem:$0x3FAF] =	sst s5  }
0xe: {  	[smem:$0x3FB0] =	sst s6  }
0xf: {  	[smem:$0x3FB1] =	sst s7  }
0x10: {  	[smem:$0x3FB2] =	sst s8  }
0x11: {  	[smem:$0x3FB3] =	sst s9;
	s0 =	simm.s32 @!p0 $0x0  }
0x12: {  	s1 =	sld [smem:$0x3F99];
	s0 =	simm.s32 @p0 $0x1  }
0x13: {  	[smem:$0x3FB4] =	sst s0;
	s0 =	simm.s32 @!p1 $0x0  }
0x14: {  	s2 =	sld [smem:$0x3F98];
	s0 =	simm.s32 @p1 $0x1  }
0x15: {  	[smem:$0x3FB5] =	sst s0;
	s0 =	simm.s32 @!p2 $0x0  }
0x16: {  	s3 =	sld [smem:$0x3FDB];
	s0 =	simm.s32 @p2 $0x1  }
0x17: {  	s4 =	simm.s32 $0x1BF5;
	[smem:$0x3FB7] =	sst s0  }
0x18: {  	s0 =	sld [smem:$0x3F9A];
	_ =	swait.ge [sflag:s4], $0x0  }
0x19: {  	s7 =	sld [smem:$0x3F9B]  }
0x1a: {  	s8 =	sadd.s32 $0xFFFFE003, lr  }
0x1b: {  	s9 =	sadd.s32 $0xFFFFFEF7, lr;
	s5 =	simm.s32 $0xFFFFFFFF;
	p2 =	slt.u32 s8, $0xFFFFF086  }
0x1c: {  	p1 =	slt.u32 s9, $0xF7A;
	s5 =	simm.s32 @!p2 $0x0  }
0x1d: {  	s5 =	simm.s32 @p1 $0x1;
	p0 =	seq.s32 s7, s2  }
0x1e: {  	s7 =	smul.u32 @!p0 $0xF7A, s2;
	p2 =	seq.s32 @!p0 s5, $0x0  }
0x1f: {  	s9 =	smul.u32 $0xF7A, s1;
	s8 =	simm.s32 @!p0 $0x1BF5;
	p2 =	por !p2, p0  }
0x20: {  	[sflag:s8] =	ssyncset.s32 @!p0 $0xFFFFF086;
	s6 =	sadd.s32 @!p0 s3, s7;
	s7 =	simm.s32 @!p0 $0x108  }
0x21: {  	s3 =	sadd.s32 s3, s9;
	s6 =	sadd.s32 @!p0 $0x88, s6;
	s7 =	simm.s32 @p2 $0x1082  }
0x22: {  	[simem:s7], [sflag:s8] =	dma.local @!p0 [hbm:s6], $0xF7A  }
0x23: {  	s9 =	sor.u32 $0xD0000000, s2;
	s6 =	simm.s32 $0x108;
	_ =	swait.ge @!p0 [sflag:s8], $0x0  }
0x24: {  	s3 =	sadd.s32 $0x88, s3;
	s6 =	simm.s32 @!p1 $0x1082;
	[sflag:s4] =	ssyncset.s32 $0xFFFFF086  }
0x25: {  	[simem:s6], [sflag:s4] =	dma.local [hbm:s3], $0xF7A  }
0x26: {  	[smem:$0x3F9B] =	sst s1;
	(tag) =	ssettag s2;
	_ =	strace s9  }
0x27: {  	s1 =	sld [smem:$0x3FAB]  }
0x28: {  	s2 =	sld [smem:$0x3FAC]  }
0x29: {  	s4 =	sld [smem:$0x3FAE]  }
0x2a: {  	p0 =	seq.s32 s5, $0x0;
	s5 =	sld [smem:$0x3FAF]  }
0x2b: {  	s6 =	sld [smem:$0x3FB0]  }
0x2c: {  	s7 =	sld [smem:$0x3FB1]  }
0x2d: {  	s3 =	simm.s32 $0x108;
	s8 =	sld [smem:$0x3FB2]  }
0x2e: {  	s3 =	simm.s32 @!p0 $0x1082;
	s9 =	sld [smem:$0x3FB3]  }
0x2f: {  	lr =	sadd.s32 s0, s3;
	s0 =	sld [smem:$0x3FAA]  }
0x30: {  	s3 =	sld [smem:$0x3FAD]  }
0x31: {  	[smem:$0x3FB6] =	sst s10  }
0x32: {  	s10 =	sld [smem:$0x3FB4];
	_ =	sdelay $0x3  }
0x33: {  	p0 =	seq.s32 s10, $0x1;
	s10 =	sld [smem:$0x3FB6];
	_ =	sdelay $0x3  }
0x34: {  	[smem:$0x3FB6] =	sst s10  }
0x35: {  	s10 =	sld [smem:$0x3FB5];
	_ =	sdelay $0x3  }
0x36: {  	p1 =	seq.s32 s10, $0x1;
	s10 =	sld [smem:$0x3FB6];
	_ =	sdelay $0x3  }
0x37: {  	[smem:$0x3FB6] =	sst s10  }
0x38: {  	s10 =	sld [smem:$0x3FB7]  }
0x39: {  	_ = 	snop;
	(pc) =	sbr.ind lr, $3  }
0x3a: {  	_ = 	snop  }
0x3b: {  	_ = 	snop  }
0x3c: {  	p2 =	seq.s32 s10, $0x1;
	s10 =	sld [smem:$0x3FB6]  }
0x3d: {  	_ =	shalt  }
0x3e: {  	_ =	shalt  }
0x3f: {  	_ =	shalt  }
0x40: {  	_ =	shalt  }
0x41: {  	_ =	shalt  }
0x42: {  	_ =	shalt  }
0x43: {  	_ =	shalt  }
0x44: {  	_ =	shalt  }
0x45: {  	_ =	shalt  }
0x46: {  	_ =	shalt  }
0x47: {  	_ =	shalt  }
0x48: {  	_ =	shalt  }
0x49: {  	_ =	shalt  }
0x4a: {  	_ =	shalt  }
0x4b: {  	_ =	shalt  }
0x4c: {  	_ =	shalt  }
0x4d: {  	_ =	shalt  }
0x4e: {  	_ =	shalt  }
0x4f: {  	_ =	shalt  }
0x50: {  	_ =	shalt  }
0x51: {  	_ =	shalt  }
0x52: {  	_ =	shalt  }
0x53: {  	_ =	shalt  }
0x54: {  	_ =	shalt  }
0x55: {  	_ =	shalt  }
0x56: {  	_ =	shalt  }
0x57: {  	_ =	shalt  }
0x58: {  	_ =	shalt  }
0x59: {  	_ =	shalt  }
0x5a: {  	_ =	shalt  }
0x5b: {  	_ =	shalt  }
0x5c: {  	_ =	shalt  }
0x5d: {  	_ =	shalt  }
0x5e: {  	_ =	shalt  }
0x5f: {  	_ =	shalt  }
0x60: {  	_ =	shalt  }
0x61: {  	_ =	shalt  }
0x62: {  	_ =	shalt  }
0x63: {  	_ =	shalt  }
0x64: {  	_ =	shalt  }
0x65: {  	_ =	shalt  }
0x66: {  	_ =	shalt  }
0x67: {  	_ =	shalt  }
0x68: {  	_ =	shalt  }
0x69: {  	_ =	shalt  }
0x6a: {  	_ =	shalt  }
0x6b: {  	_ =	shalt  }
0x6c: {  	_ =	shalt  }
0x6d: {  	_ =	shalt  }
0x6e: {  	_ =	shalt  }
0x6f: {  	_ =	shalt  }
0x70: {  	_ =	shalt  }
0x71: {  	_ =	shalt  }
0x72: {  	_ =	shalt  }
0x73: {  	_ =	shalt  }
0x74: {  	_ =	shalt  }
0x75: {  	_ =	shalt  }
0x76: {  	_ =	shalt  }
0x77: {  	_ =	shalt  }
0x78: {  	_ =	shalt  }
0x79: {  	_ =	shalt  }
0x7a: {  	_ =	shalt  }
0x7b: {  	_ =	shalt  }
0x7c: {  	_ =	shalt  }
0x7d: {  	_ =	shalt  }
0x7e: {  	_ =	shalt  }
0x7f: {  	_ =	shalt  }
0x80: {  	_ =	shalt  }
0x81: {  	_ =	shalt  }
0x82: {  	_ =	shalt  }
0x83: {  	_ =	shalt  }
0x84: {  	_ =	shalt  }
0x85: {  	_ =	shalt  }
0x86: {  	_ =	shalt  }
0x87: {  	_ =	shalt  }
.Lfunc_end0:
.L_simem_size_0:
called_computation_lowered:
.L_overlay_start_0:
0x88: {  	s2 =	sld [smem:$0x3FD9]  }
0x89: {  	s3 =	sld [smem:$0x3FFE];
	_ =	sdelay $0x1  }
0x8a: {  	s1 =	srdreg.scid  }
0x8b: {  	s0 =	sand.u32 $0x1, s1  }
0x8c: {  	s17 =	sshll.u32 s0, $0xA;
	s2 =	sadd.s32 s3, s2  }
0x8d: {  	s2 =	sadd.s32 s2, s17  }
0x8e: {  	[smem:$0x3FC2] =	sst s2  }
0x8f: {  	_ = 	snop  }
0x90: {  	s2 =	sld [smem:$0x3FD0];
	(tm) =	ssettm $0x1  }
0x91: {  	s18 =	sld [smem:$0x3FFB];
	_ =	sdelay $0x3  }
0x92: {  	_ =	strace s18  }
0x93: {  	s3 =	sld [smem:$0x3FFC];
	_ =	sdelay $0x3  }
0x94: {  	_ =	strace s3  }
0x95: {  	s3 =	sld [smem:$0x3FFD];
	_ =	sdelay $0x3  }
0x96: {  	_ =	strace s3  }
0x97: {  	_ =	strace $0x8FFFFFFF  }
0x98: {  	s19 =	sld [smem:$0x3FDB];
	_ =	sdelay $0x1  }
0x99: {  	s4 =	simm.s32 $_scs_section_size  }
0x9a: {  	s5 =	simm.s32 $_size__tile_overlayer_lowered;
	s6 =	simm.s32 $_tile_overlayer_lowered  }
0x9b: {  	s22 =	simm.s32 $0x1BFF;
	s21 =	sshll.u32 s6, $0x1;
	s3 =	sadd.s32 s4, s19  }
0x9c: {  	s7 =	simm.s32 $0x0;
	s20 =	sshll.u32 s5, $0x1;
	s5 =	sadd.s32 s21, s3  }
0x9d: {  	[timem:s7], [sflag:s22] =	dma.local [hbm:s5], s20  }
0x9e: {  	_ =	swait.ge [sflag:s22], s20  }
0x9f: {  	s4 =	ssub.s32 $0x0, s20;
	[sflag:s22] =	ssyncset.done $0x0  }
0xa0: {  	[sflag:s22] =	ssyncadd.s32 s4;
	_ =	sdelay $0x1  }
0xa1: {  	s23 =	simm.s32 $0x1B8B  }
0xa2: {  	_ =	swait.ge [sflag:s23], $0x1  }
0xa3: {  	[sflag:s23] =	ssyncset.done $0x0  }
0xa4: {  	s25 =	simm.s32 $0x1B8E;
	s24 =	sld [smem:$0x3FFE];
	[sflag:s23] =	ssyncadd.s32 $0xFFFFFFFF  }
0xa5: {  	s26 =	simm.s32 $execute0_lowered;
	[smem:$0x3FD2] =	sst s25  }
0xa6: {  	s5 =	sshll.u32 s26, $0x1;
	_ =	strace $0x80000046;
	[dreg:$0x1] =	wrdreg $0xFFFFFFFF  }
0xa7: {  	s28 =	simm.s32 $_size_execute0_lowered;
	s3 =	sadd.s32 s3, s5;
	[dreg:$0x0] =	wrdreg $0x0  }
0xa8: {  	s5 =	sshll.u32 s28, $0x1;
	[dreg:$0x2] =	wrdreg s3  }
0xa9: {  	[dreg:$0x3] =	wrdreg s5  }
0xaa: {  	[dreg:$0x4] =	wrdreg $0xC0  }
0xab: {  	_ =	task [dreg:s7], $0x5FFFF  }
0xac: {  	[dreg:$0x1] =	wrdreg $0xFFFFFFFF  }
0xad: {  	[dreg:$0x0] =	wrdreg $0x60  }
0xae: {  	[dreg:$0x2] =	wrdreg s24  }
0xaf: {  	[dreg:$0x3] =	wrdreg s2  }
0xb0: {  	[dreg:$0x4] =	wrdreg $0x9  }
0xb1: {  	_ =	task.clear_ibuf [dreg:s7], $0x5FFFF;
	_ =	strace $0x90000046  }
0xb2: {  	s29 =	simm.s32 $0x9;
	_ =	strace $0x80000048  }
0xb3: {  	_ =	swait.ge [sflag:s29], $0x1  }
0xb4: {  	[sflag:s29] =	ssyncadd.s32 $0xFFFFFFFF  }
0xb5: {  	_ =	strace $0x90000048  }
0xb6: {  	_ =	sfence  }
0xb7: {  	s30 =	sld [smem:$0x0];
	_ =	sdelay $0x2  }
0xb8: {  	s31 =	sshll.u32 s1, $0xD;
	s1 =	sshrl.u32 s1, $0x2  }
0xb9: {  	s3 =	sand.u32 $0x4000, s31;
	s1 =	sadd.s32 s1, s30  }
0xba: {  	s0 =	sor.u32 s3, s0;
	s1 =	sshll.u32 s1, $0x11  }
0xbb: {  	s0 =	sor.u32 s1, s0  }
0xbc: {  	s0 =	sadd.s32 $0x8F2B, s0  }
0xbd: {  	[sflag:s0] =	ssyncadd.remote.s32 $0x1  }
0xbe: {  	_ =	sfence.sel $0xFFFF  }
0xbf: {  	[dreg:$0x0] =	wrdreg $0xFFFFFFFF;
	(pc) =	sbr.abs _section_cstart, $3  }
0xc0: {  	[dreg:$0x1] =	wrdreg $0xFFFFFFFF  }
0xc1: {  	_ =	task.clear_ibuf [dreg:s7], $0x2FFFF;
	_ =	strace $0x9FFFFFFF  }
0xc2: {  	(tm) =	ssettm $0x7FFFFFFF  }
0xc3: {  	_ =	shalt  }
tec
execute0_lowered:
.L_overlay_start_1:
0x0: {  	(tag) =	ssettag $0x1  }
0x1: {  	s0 =	rddreg [dreg:$0x0]  }
0x2: {  	s1 =	rddreg [dreg:$0x1];
	s3 =	simm.s32 $0x0;
	s2 =	srdreg.scid  }
0x3: {  	s10 =	stileid.u32;
	s13 =	simm.s32 $0x28;
	s14 =	simm.s32 $0x2710  }
0x4: {  	s15 =	simm.s32 $0x4F10;
	s16 =	simm.s32 $0x3110;
	s18 =	simm.s32 $0x5910  }
0x5: {  	s28 =	simm.s32 $0x2;
	s29 =	simm.s32 $0x6;
	s30 =	simm.s32 $0x9  }
0x6: {  	s31 =	simm.s32 $0x3;
	s17 =	simm.s32 $0x8;
	[smem:$0x7FF] =	sst s3  }
0x7: {  	s2 =	sand.u32 $0x1, s2;
	s19 =	sshll.u32 s10, $0x1;
	s3 =	sadd.s32 $0x18A00, s0  }
0x8: {  	s4 =	sadd.s32 $0x5000, s0;
	s9 =	sadd.s32 $0x2C400, s0;
	s20 =	smul.u32 $0x27100, s10  }
0x9: {  	s5 =	sor.u32 s2, s19;
	s6 =	ssub.s32 $0x2, s2;
	s2 =	smul.u32 $0x13880, s2  }
0xa: {  	_ =	strace $0x80000047;
	s19 =	simm.s32 $0x3B10;
	s7 =	smul.u32 $0x1388, s5  }
0xb: {  	s8 =	sshrl.u32 s6, $0x1;
	s5 =	smul.u32 $0x9C400, s5;
	s22 =	sadd.s32 s20, s9  }
0xc: {  	s20 =	simm.s32 $0x6310;
	s6 =	ssub.s32 s6, s8;
	s24 =	sadd.s32 s2, s22  }
0xd: {  	s22 =	simm.s32 $0x5;
	s7 =	sshrl.u32 s7, $0x3;
	s5 =	sshrl.u32 s5, $0x3  }
0xe: {  	s25 =	smax.u32 s6, $0x1;
	s26 =	sadd.s32 $0x788, s24;
	s24 =	simm.s32 $0x80  }
0xf: {  	s6 =	simm.s32 $0x0;
	s0 =	sadd.s32 s0, s7;
	[dreg:$0x7] =	wrdreg s25  }
0x10: {  	s21 =	sadd.s32 s9, s5;
	s1 =	sadd.s32 s1, s7;
	[dreg:$0x8] =	wrdreg s26  }
0x11: {  	s25 =	simm.s32 $0x4510;
	s26 =	simm.s32 $0x6D10;
	[dreg:$0x3] =	wrdreg s0  }
0x12: {  	[dreg:$0x4] =	wrdreg s1;
	s23 =	sadd.s32 $0x13600, s21;
	s0 =	sadd.s32 $0x13608, s21  }
0x13: {  	s21 =	simm.s32 $0x1;
	s1 =	simm.s32 $0x4;
	[dreg:$0x5] =	wrdreg s23  }
0x14: {  	[dreg:$0x6] =	wrdreg s0;
	s23 =	simm.s32 $0x40;
	s0 =	simm.s32 $0x7  }
.LBB2_1:
0x15: {  	[dreg:$0x9] =	wrdreg s6  }
0x16: {  	s2 =	simm.s32 $0x0;
	s5 =	rddreg [dreg:$0x3];
	s11 =	simm.s32 $0xD  }
0x17: {  	[tilespmem:s2], [sflag:$0xD] =	stream.linear.gather [hbm4b:s5+s2], $0x1388, $0x38;
	[tilespmem:$0x7710] =	vst v63  }
0x18: {  	_ =	swait.ge [sflag:s11], $0x1388  }
0x19: {  	[sflag:s11] =	ssyncset.done $0x0  }
0x1a: {  	s7 =	simm.s32 $0x1388;
	s12 =	rddreg [dreg:$0x4];
	[sflag:s11] =	ssyncadd.s32 $0xFFFFEC78  }
0x1b: {  	[tilespmem:s7], [sflag:$0xD] =	stream.linear.gather [hbm4b:s12+s2], $0x1388, $0x38;
	[tilespmem:$0x7710] =	vst v63  }
0x1c: {  	_ =	swait.ge [sflag:s11], $0x1388  }
0x1d: {  	[sflag:s11] =	ssyncset.done $0x0  }
0x1e: {  	[sflag:s11] =	ssyncadd.s32 $0xFFFFEC78  }
0x1f: {  	[tilespmem:s14], [sflag:$0x1] =	stream.indirect.gather [hbm4b:s3+s13], $0x40, s2, s13, $0xb8;
	[tilespmem:$0x7710] =	vst v63  }
0x20: {  	p0 =	por $0x1, $0x1  }
0x21: {  	[tilespmem:s15], [sflag:$0x5] =	stream.indirect.gather [hbm4b:s4+s13], $0x40, s7, s13, $0xb8;
	[tilespmem:$0x7710] =	vst v63  }
0x22: {  	p0 =	por p0, p0  }
0x23: {  	[tilespmem:s16], [sflag:$0x2] =	stream.indirect.gather [hbm4b:s3+s13], $0x40, s13, s13, $0xb8;
	[tilespmem:$0x7710] =	vst v63  }
0x24: {  	s5 =	simm.s32 $0x13B0;
	s2 =	simm.s32 @!p0 $0xB  }
0x25: {  	[tilespmem:s18], [sflag:$0x6] =	stream.indirect.gather [hbm4b:s4+s13], $0x40, s5, s13, $0xb8;
	[tilespmem:$0x7710] =	vst v63  }
0x26: {  	_ =	swait.ge @!p0 [sflag:s2], $0xA00  }
0x27: {  	[sflag:s2] =	ssyncset.done @!p0 $0x0  }
0x28: {  	[sflag:s2] =	ssyncadd.s32 @!p0 $0xFFFFF600  }
0x29: {  	_ =	swait.ge @!p0 [sflag:s2], $0xA00  }
0x2a: {  	[sflag:s2] =	ssyncset.done @!p0 $0x0  }
0x2b: {  	s6 =	simm.s32 $0x50;
	[sflag:s2] =	ssyncadd.s32 @!p0 $0xFFFFF600  }
0x2c: {  	[tilespmem:s19], [sflag:$0x3] =	stream.indirect.gather [hbm4b:s3+s13], $0x40, s6, s13, $0xb8;
	[tilespmem:$0x7710] =	vst v63  }
0x2d: {  	s7 =	simm.s32 $0x13D8  }
0x2e: {  	[tilespmem:s20], [sflag:$0x7] =	stream.indirect.gather [hbm4b:s4+s13], $0x40, s7, s13, $0xb8;
	[tilespmem:$0x7710] =	vst v63  }
0x2f: {  	_ =	swait.ge [sflag:s21], $0xA00  }
0x30: {  	[sflag:s21] =	ssyncset.done $0x0  }
0x31: {  	[sflag:s21] =	ssyncadd.s32 $0xFFFFF600  }
0x32: {  	_ =	swait.ge [sflag:s22], $0xA00  }
0x33: {  	[sflag:s22] =	ssyncset.done $0x0;
	s10 =	rddreg [dreg:$0x8]  }
0x34: {  	[sflag:s22] =	ssyncadd.s32 $0xFFFFF600;
	s8 =	sadd.s32 $0xFFFFF878, s10  }
0x35: {  	[hbm4b:s8+s23] =	stream.strided.scatter [tilespmem:s14], [sflag:$0x9], $0xA00, s24, s23, $0x38;
	[tilespmem:$0x7710] =	vst v63  }
0x36: {  	s5 =	simm.s32 @!p0 $0xC;
	s9 =	sadd.s32 $0xFFFFF880, s10  }
0x37: {  	[hbm4b:s9+s23] =	stream.strided.scatter [tilespmem:s15], [sflag:$0x9], $0xA00, s24, s23, $0x38;
	[tilespmem:$0x7710] =	vst v63  }
0x38: {  	_ =	swait.ge @!p0 [sflag:s5], $0xA00  }
0x39: {  	[sflag:s5] =	ssyncset.done @!p0 $0x0  }
0x3a: {  	[sflag:s5] =	ssyncadd.s32 @!p0 $0xFFFFF600  }
0x3b: {  	_ =	swait.ge @!p0 [sflag:s5], $0xA00  }
0x3c: {  	[sflag:s5] =	ssyncset.done @!p0 $0x0  }
0x3d: {  	s11 =	simm.s32 $0x78;
	[sflag:s5] =	ssyncadd.s32 @!p0 $0xFFFFF600  }
0x3e: {  	[tilespmem:s25], [sflag:$0x4] =	stream.indirect.gather [hbm4b:s3+s13], $0x40, s11, s13, $0xb8;
	[tilespmem:$0x7710] =	vst v63  }
0x3f: {  	s12 =	simm.s32 $0x1400  }
0x40: {  	[tilespmem:s26], [sflag:$0x8] =	stream.indirect.gather [hbm4b:s4+s13], $0x40, s12, s13, $0xb8;
	[tilespmem:$0x7710] =	vst v63  }
0x41: {  	_ =	swait.ge [sflag:s28], $0xA00  }
0x42: {  	[sflag:s28] =	ssyncset.done $0x0  }
0x43: {  	[sflag:s28] =	ssyncadd.s32 $0xFFFFF600  }
0x44: {  	_ =	swait.ge [sflag:s29], $0xA00  }
0x45: {  	[sflag:s29] =	ssyncset.done $0x0  }
0x46: {  	s5 =	sadd.s32 $0xFFFFFAF8, s10;
	[sflag:s29] =	ssyncadd.s32 $0xFFFFF600  }
0x47: {  	[hbm4b:s5+s23] =	stream.strided.scatter [tilespmem:s16], [sflag:$0xA], $0xA00, s24, s23, $0x38;
	[tilespmem:$0x7710] =	vst v63  }
0x48: {  	s6 =	sadd.s32 $0xFFFFFB00, s10  }
0x49: {  	[hbm4b:s6+s23] =	stream.strided.scatter [tilespmem:s18], [sflag:$0xA], $0xA00, s24, s23, $0x38;
	[tilespmem:$0x7710] =	vst v63  }
0x4a: {  	_ =	swait.ge [sflag:s30], $0xA00  }
0x4b: {  	[sflag:s30] =	ssyncset.done $0x0  }
0x4c: {  	[sflag:s30] =	ssyncadd.s32 $0xFFFFF600  }
0x4d: {  	_ =	swait.ge [sflag:s30], $0xA00  }
0x4e: {  	[sflag:s30] =	ssyncset.done $0x0  }
0x4f: {  	s7 =	simm.s32 $0xA0;
	[sflag:s30] =	ssyncadd.s32 $0xFFFFF600  }
0x50: {  	[tilespmem:s14], [sflag:$0x1] =	stream.indirect.gather [hbm4b:s3+s13], $0x40, s7, s13, $0xb8;
	[tilespmem:$0x7710] =	vst v63  }
0x51: {  	s8 =	simm.s32 $0x1428  }
0x52: {  	[tilespmem:s15], [sflag:$0x5] =	stream.indirect.gather [hbm4b:s4+s13], $0x40, s8, s13, $0xb8;
	[tilespmem:$0x7710] =	vst v63  }
0x53: {  	_ =	swait.ge [sflag:s31], $0xA00  }
0x54: {  	[sflag:s31] =	ssyncset.done $0x0  }
0x55: {  	[sflag:s31] =	ssyncadd.s32 $0xFFFFF600  }
0x56: {  	_ =	swait.ge [sflag:s0], $0xA00  }
0x57: {  	[sflag:s0] =	ssyncset.done $0x0  }
0x58: {  	s9 =	sadd.s32 $0xFFFFFD78, s10;
	p0 =	por $0x0, $0x0;
	[sflag:s0] =	ssyncadd.s32 $0xFFFFF600  }
0x59: {  	[hbm4b:s9+s23] =	stream.strided.scatter [tilespmem:s19], [sflag:$0xB], $0xA00, s24, s23, $0x38;
	[tilespmem:$0x7710] =	vst v63  }
0x5a: {  	s11 =	sadd.s32 $0xFFFFFD80, s10;
	s2 =	simm.s32 @!p0 $0xA  }
0x5b: {  	[hbm4b:s11+s23] =	stream.strided.scatter [tilespmem:s20], [sflag:$0xB], $0xA00, s24, s23, $0x38;
	[tilespmem:$0x7710] =	vst v63  }
0x5c: {  	_ =	swait.ge @!p0 [sflag:s2], $0xA00  }
0x5d: {  	[sflag:s2] =	ssyncset.done @!p0 $0x0  }
0x5e: {  	[sflag:s2] =	ssyncadd.s32 @!p0 $0xFFFFF600  }
0x5f: {  	_ =	swait.ge @!p0 [sflag:s2], $0xA00  }
0x60: {  	s5 =	simm.s32 @!p0 $0xC8;
	[sflag:s2] =	ssyncset.done @!p0 $0x0  }
0x61: {  	s6 =	simm.s32 @!p0 $0x28;
	s8 =	simm.s32 @!p0 $0x3110;
	[sflag:s2] =	ssyncadd.s32 @!p0 $0xFFFFF600  }
0x62: {  	[tilespmem:s8], [sflag:$0x2] =	stream.indirect.gather @!p0 [hbm4b:s3+s6], $0x40, s5, s6, $0xb8;
	[tilespmem:$0x7710] =	vst v63  }
0x63: {  	s2 =	simm.s32 @!p0 $0x1450;
	s5 =	simm.s32 @!p0 $0x5910  }
0x64: {  	[tilespmem:s5], [sflag:$0x6] =	stream.indirect.gather @!p0 [hbm4b:s4+s6], $0x40, s2, s6, $0xb8;
	[tilespmem:$0x7710] =	vst v63  }
0x65: {  	_ =	swait.ge [sflag:s1], $0xA00  }
0x66: {  	[sflag:s1] =	ssyncset.done $0x0  }
0x67: {  	[sflag:s1] =	ssyncadd.s32 $0xFFFFF600  }
0x68: {  	p6 =	por $0x0, $0x0;
	s12 =	sadd.s32 $0xFFFFFFF8, s10;
	_ =	swait.ge [sflag:s17], $0xA00  }
0x69: {  	s9 =	simm.s32 $0x280;
	s8 =	sadd.s32 $0xA00, s10;
	[sflag:s17] =	ssyncset.done $0x0  }
0x6a: {  	s2 =	simm.s32 $0x500;
	p0 =	por p6, p6;
	[sflag:s17] =	ssyncadd.s32 $0xFFFFF600  }
0x6b: {  	[hbm4b:s12+s23] =	stream.strided.scatter [tilespmem:s25], [sflag:$0xC], $0xA00, s24, s23, $0x38;
	[tilespmem:$0x7710] =	vst v63  }
.LBB2_2:
0x6c: {  	p2 =	seq.s32 s2, $0x0  }
0x6d: {  	s12 =	simm.s32 @!p0 $0xB;
	s5 =	smov.u32 s2;
	s2 =	sadd.s32 $0x280, s2  }
0x6e: {  	[hbm4b:s10+s23] =	stream.strided.scatter [tilespmem:s26], [sflag:$0xC], $0xA00, s24, s23, $0x38;
	[tilespmem:$0x7710] =	vst v63  }
0x6f: {  	p1 =	sne.s32 s2, $0x4D80;
	s10 =	smov.u32 s8;
	_ =	swait.ge @!p0 [sflag:s12], $0xA00  }
0x70: {  	[sflag:s12] =	ssyncset.done @!p0 $0x0  }
0x71: {  	[sflag:s12] =	ssyncadd.s32 @!p0 $0xFFFFF600  }
0x72: {  	_ =	swait.ge @!p0 [sflag:s12], $0xA00  }
0x73: {  	s6 =	sshra.s32 s9, $0x2;
	[sflag:s12] =	ssyncset.done @!p0 $0x0  }
0x74: {  	[sflag:s12] =	ssyncadd.s32 @!p0 $0xFFFFF600;
	s12 =	sadd.s32 $0x50, s6  }
0x75: {  	[tilespmem:s19], [sflag:$0x3] =	stream.indirect.gather [hbm4b:s3+s13], $0x40, s12, s13, $0xb8;
	[tilespmem:$0x7710] =	vst v63  }
0x76: {  	s12 =	sadd.s32 $0x13D8, s6  }
0x77: {  	[tilespmem:s20], [sflag:$0x7] =	stream.indirect.gather [hbm4b:s4+s13], $0x40, s12, s13, $0xb8;
	[tilespmem:$0x7710] =	vst v63  }
0x78: {  	_ =	swait.ge [sflag:s21], $0xA00  }
0x79: {  	[sflag:s21] =	ssyncset.done $0x0  }
0x7a: {  	[sflag:s21] =	ssyncadd.s32 $0xFFFFF600  }
0x7b: {  	_ =	swait.ge [sflag:s22], $0xA00  }
0x7c: {  	[sflag:s22] =	ssyncset.done $0x0  }
0x7d: {  	s12 =	sadd.s32 $0xFFFFF878, s8;
	[sflag:s22] =	ssyncadd.s32 $0xFFFFF600  }
0x7e: {  	[hbm4b:s12+s23] =	stream.strided.scatter [tilespmem:s14], [sflag:$0x9], $0xA00, s24, s23, $0x38;
	[tilespmem:$0x7710] =	vst v63  }
0x7f: {  	s7 =	simm.s32 @!p0 $0xC;
	s12 =	sadd.s32 $0xFFFFF880, s8  }
0x80: {  	[hbm4b:s12+s23] =	stream.strided.scatter [tilespmem:s15], [sflag:$0x9], $0xA00, s24, s23, $0x38;
	[tilespmem:$0x7710] =	vst v63  }
0x81: {  	_ =	swait.ge @!p0 [sflag:s7], $0xA00  }
0x82: {  	[sflag:s7] =	ssyncset.done @!p0 $0x0  }
0x83: {  	[sflag:s7] =	ssyncadd.s32 @!p0 $0xFFFFF600  }
0x84: {  	_ =	swait.ge @!p0 [sflag:s7], $0xA00  }
0x85: {  	[sflag:s7] =	ssyncset.done @!p0 $0x0  }
0x86: {  	[sflag:s7] =	ssyncadd.s32 @!p0 $0xFFFFF600;
	s7 =	sadd.s32 $0x78, s6;
	p0 =	por p2, p2  }
0x87: {  	[tilespmem:s25], [sflag:$0x4] =	stream.indirect.gather [hbm4b:s3+s13], $0x40, s7, s13, $0xb8;
	[tilespmem:$0x7710] =	vst v63  }
0x88: {  	s7 =	sadd.s32 $0x1400, s6  }
0x89: {  	[tilespmem:s26], [sflag:$0x8] =	stream.indirect.gather [hbm4b:s4+s13], $0x40, s7, s13, $0xb8;
	[tilespmem:$0x7710] =	vst v63  }
0x8a: {  	_ =	swait.ge [sflag:s28], $0xA00  }
0x8b: {  	[sflag:s28] =	ssyncset.done $0x0  }
0x8c: {  	[sflag:s28] =	ssyncadd.s32 $0xFFFFF600  }
0x8d: {  	_ =	swait.ge [sflag:s29], $0xA00  }
0x8e: {  	[sflag:s29] =	ssyncset.done $0x0  }
0x8f: {  	s7 =	sadd.s32 $0xFFFFFAF8, s8;
	[sflag:s29] =	ssyncadd.s32 $0xFFFFF600  }
0x90: {  	[hbm4b:s7+s23] =	stream.strided.scatter [tilespmem:s16], [sflag:$0xA], $0xA00, s24, s23, $0x38;
	[tilespmem:$0x7710] =	vst v63  }
0x91: {  	s7 =	sadd.s32 $0xFFFFFB00, s8  }
0x92: {  	[hbm4b:s7+s23] =	stream.strided.scatter [tilespmem:s18], [sflag:$0xA], $0xA00, s24, s23, $0x38;
	[tilespmem:$0x7710] =	vst v63  }
0x93: {  	_ =	swait.ge [sflag:s30], $0xA00  }
0x94: {  	[sflag:s30] =	ssyncset.done $0x0  }
0x95: {  	[sflag:s30] =	ssyncadd.s32 $0xFFFFF600  }
0x96: {  	_ =	swait.ge [sflag:s30], $0xA00  }
0x97: {  	[sflag:s30] =	ssyncset.done $0x0  }
0x98: {  	s7 =	sadd.s32 $0xA0, s6;
	[sflag:s30] =	ssyncadd.s32 $0xFFFFF600  }
0x99: {  	[tilespmem:s14], [sflag:$0x1] =	stream.indirect.gather [hbm4b:s3+s13], $0x40, s7, s13, $0xb8;
	[tilespmem:$0x7710] =	vst v63  }
0x9a: {  	s6 =	sadd.s32 $0x1428, s6  }
0x9b: {  	[tilespmem:s15], [sflag:$0x5] =	stream.indirect.gather [hbm4b:s4+s13], $0x40, s6, s13, $0xb8;
	[tilespmem:$0x7710] =	vst v63  }
0x9c: {  	_ =	swait.ge [sflag:s31], $0xA00  }
0x9d: {  	[sflag:s31] =	ssyncset.done $0x0  }
0x9e: {  	[sflag:s31] =	ssyncadd.s32 $0xFFFFF600  }
0x9f: {  	_ =	swait.ge [sflag:s0], $0xA00  }
0xa0: {  	[sflag:s0] =	ssyncset.done $0x0  }
0xa1: {  	s6 =	sadd.s32 $0xFFFFFD78, s8;
	[sflag:s0] =	ssyncadd.s32 $0xFFFFF600  }
0xa2: {  	[hbm4b:s6+s23] =	stream.strided.scatter [tilespmem:s19], [sflag:$0xB], $0xA00, s24, s23, $0x38;
	[tilespmem:$0x7710] =	vst v63  }
0xa3: {  	p2 =	seq.s32 s9, $0x4B00;
	s6 =	sadd.s32 $0xFFFFFD80, s8  }
0xa4: {  	[hbm4b:s6+s23] =	stream.strided.scatter [tilespmem:s20], [sflag:$0xB], $0xA00, s24, s23, $0x38;
	[tilespmem:$0x7710] =	vst v63  }
0xa5: {  	s7 =	sshra.s32 @!p2 s9, $0x2;
	s9 =	smov.u32 s5;
	s6 =	simm.s32 @!p2 $0xA  }
0xa6: {  	s5 =	sadd.s32 @!p2 $0xC8, s7;
	s7 =	sadd.s32 @!p2 $0x1450, s7;
	_ =	swait.ge @!p2 [sflag:s6], $0xA00  }
0xa7: {  	[sflag:s6] =	ssyncset.done @!p2 $0x0  }
0xa8: {  	[sflag:s6] =	ssyncadd.s32 @!p2 $0xFFFFF600  }
0xa9: {  	_ =	swait.ge @!p2 [sflag:s6], $0xA00  }
0xaa: {  	s12 =	simm.s32 @!p2 $0x28;
	s11 =	simm.s32 @!p2 $0x3110;
	[sflag:s6] =	ssyncset.done @!p2 $0x0  }
0xab: {  	[sflag:s6] =	ssyncadd.s32 @!p2 $0xFFFFF600;
	s6 =	simm.s32 @!p2 $0x5910  }
0xac: {  	[tilespmem:s11], [sflag:$0x2] =	stream.indirect.gather @!p2 [hbm4b:s3+s12], $0x40, s5, s12, $0xb8;
	[tilespmem:$0x7710] =	vst v63  }
0xad: {  	_ = 	snop  }
0xae: {  	[tilespmem:s6], [sflag:$0x6] =	stream.indirect.gather @!p2 [hbm4b:s4+s12], $0x40, s7, s12, $0xb8;
	[tilespmem:$0x7710] =	vst v63  }
0xaf: {  	_ =	swait.ge [sflag:s1], $0xA00  }
0xb0: {  	[sflag:s1] =	ssyncset.done $0x0  }
.Ltmp0:
0xb1: {  	[sflag:s1] =	ssyncadd.s32 $0xFFFFF600;
	(pc) =	sbr.rel @p1 .LBB2_2-.Ltmp0, $4  }
0xb2: {  	_ =	swait.ge [sflag:s17], $0xA00  }
0xb3: {  	s5 =	sadd.s32 $0xFFFFFFF8, s8;
	[sflag:s17] =	ssyncset.done $0x0  }
0xb4: {  	s8 =	sadd.s32 $0xA00, s8;
	[sflag:s17] =	ssyncadd.s32 $0xFFFFF600  }
0xb5: {  	[hbm4b:s5+s23] =	stream.strided.scatter [tilespmem:s25], [sflag:$0xC], $0xA00, s24, s23, $0x38;
	[tilespmem:$0x7710] =	vst v63  }
0xb6: {  	s2 =	simm.s32 @!p0 $0xB  }
0xb7: {  	[hbm4b:s10+s23] =	stream.strided.scatter [tilespmem:s26], [sflag:$0xC], $0xA00, s24, s23, $0x38;
	[tilespmem:$0x7710] =	vst v63  }
0xb8: {  	_ =	swait.ge @!p0 [sflag:s2], $0xA00  }
0xb9: {  	[sflag:s2] =	ssyncset.done @!p0 $0x0  }
0xba: {  	[sflag:s2] =	ssyncadd.s32 @!p0 $0xFFFFF600  }
0xbb: {  	_ =	swait.ge @!p0 [sflag:s2], $0xA00  }
0xbc: {  	s5 =	sshra.s32 s9, $0x2;
	[sflag:s2] =	ssyncset.done @!p0 $0x0  }
0xbd: {  	s11 =	sadd.s32 $0x50, s5;
	[sflag:s2] =	ssyncadd.s32 @!p0 $0xFFFFF600  }
0xbe: {  	[tilespmem:s19], [sflag:$0x3] =	stream.indirect.gather [hbm4b:s3+s13], $0x40, s11, s13, $0xb8;
	[tilespmem:$0x7710] =	vst v63  }
0xbf: {  	s12 =	sadd.s32 $0x13D8, s5  }
0xc0: {  	[tilespmem:s20], [sflag:$0x7] =	stream.indirect.gather [hbm4b:s4+s13], $0x40, s12, s13, $0xb8;
	[tilespmem:$0x7710] =	vst v63  }
0xc1: {  	_ =	swait.ge [sflag:s21], $0xA00  }
0xc2: {  	[sflag:s21] =	ssyncset.done $0x0  }
0xc3: {  	[sflag:s21] =	ssyncadd.s32 $0xFFFFF600  }
0xc4: {  	_ =	swait.ge [sflag:s22], $0xA00  }
0xc5: {  	[sflag:s22] =	ssyncset.done $0x0  }
0xc6: {  	s6 =	sadd.s32 $0xFFFFF878, s8;
	[sflag:s22] =	ssyncadd.s32 $0xFFFFF600  }
0xc7: {  	[hbm4b:s6+s23] =	stream.strided.scatter [tilespmem:s14], [sflag:$0x9], $0xA00, s24, s23, $0x38;
	[tilespmem:$0x7710] =	vst v63  }
0xc8: {  	s7 =	sadd.s32 $0xFFFFF880, s8;
	s6 =	simm.s32 @!p0 $0xC  }
0xc9: {  	[hbm4b:s7+s23] =	stream.strided.scatter [tilespmem:s15], [sflag:$0x9], $0xA00, s24, s23, $0x38;
	[tilespmem:$0x7710] =	vst v63  }
0xca: {  	_ =	swait.ge @!p0 [sflag:s6], $0xA00  }
0xcb: {  	[sflag:s6] =	ssyncset.done @!p0 $0x0  }
0xcc: {  	[sflag:s6] =	ssyncadd.s32 @!p0 $0xFFFFF600  }
0xcd: {  	_ =	swait.ge @!p0 [sflag:s6], $0xA00  }
0xce: {  	[sflag:s6] =	ssyncset.done @!p0 $0x0  }
0xcf: {  	s10 =	sadd.s32 $0x78, s5;
	[sflag:s6] =	ssyncadd.s32 @!p0 $0xFFFFF600  }
0xd0: {  	[tilespmem:s25], [sflag:$0x4] =	stream.indirect.gather [hbm4b:s3+s13], $0x40, s10, s13, $0xb8;
	[tilespmem:$0x7710] =	vst v63  }
0xd1: {  	s11 =	sadd.s32 $0x1400, s5  }
0xd2: {  	[tilespmem:s26], [sflag:$0x8] =	stream.indirect.gather [hbm4b:s4+s13], $0x40, s11, s13, $0xb8;
	[tilespmem:$0x7710] =	vst v63  }
0xd3: {  	_ =	swait.ge [sflag:s28], $0xA00  }
0xd4: {  	[sflag:s28] =	ssyncset.done $0x0  }
0xd5: {  	[sflag:s28] =	ssyncadd.s32 $0xFFFFF600  }
0xd6: {  	_ =	swait.ge [sflag:s29], $0xA00  }
0xd7: {  	[sflag:s29] =	ssyncset.done $0x0  }
0xd8: {  	s12 =	sadd.s32 $0xFFFFFAF8, s8;
	[sflag:s29] =	ssyncadd.s32 $0xFFFFF600  }
0xd9: {  	[hbm4b:s12+s23] =	stream.strided.scatter [tilespmem:s16], [sflag:$0xA], $0xA00, s24, s23, $0x38;
	[tilespmem:$0x7710] =	vst v63  }
0xda: {  	s6 =	sadd.s32 $0xFFFFFB00, s8  }
0xdb: {  	[hbm4b:s6+s23] =	stream.strided.scatter [tilespmem:s18], [sflag:$0xA], $0xA00, s24, s23, $0x38;
	[tilespmem:$0x7710] =	vst v63  }
0xdc: {  	_ =	swait.ge [sflag:s30], $0xA00  }
0xdd: {  	[sflag:s30] =	ssyncset.done $0x0  }
0xde: {  	[sflag:s30] =	ssyncadd.s32 $0xFFFFF600  }
0xdf: {  	_ =	swait.ge [sflag:s30], $0xA00  }
0xe0: {  	[sflag:s30] =	ssyncset.done $0x0  }
0xe1: {  	s7 =	sadd.s32 $0xA0, s5;
	[sflag:s30] =	ssyncadd.s32 $0xFFFFF600  }
0xe2: {  	[tilespmem:s14], [sflag:$0x1] =	stream.indirect.gather [hbm4b:s3+s13], $0x40, s7, s13, $0xb8;
	[tilespmem:$0x7710] =	vst v63  }
0xe3: {  	s10 =	sadd.s32 $0x1428, s5  }
0xe4: {  	[tilespmem:s15], [sflag:$0x5] =	stream.indirect.gather [hbm4b:s4+s13], $0x40, s10, s13, $0xb8;
	[tilespmem:$0x7710] =	vst v63  }
0xe5: {  	_ =	swait.ge [sflag:s31], $0xA00  }
0xe6: {  	[sflag:s31] =	ssyncset.done $0x0  }
0xe7: {  	[sflag:s31] =	ssyncadd.s32 $0xFFFFF600  }
0xe8: {  	_ =	swait.ge [sflag:s0], $0xA00  }
0xe9: {  	[sflag:s0] =	ssyncset.done $0x0  }
0xea: {  	p0 =	seq.s32 s9, $0x4B00;
	s11 =	sadd.s32 $0xFFFFFD78, s8;
	[sflag:s0] =	ssyncadd.s32 $0xFFFFF600  }
0xeb: {  	[hbm4b:s11+s23] =	stream.strided.scatter [tilespmem:s19], [sflag:$0xB], $0xA00, s24, s23, $0x38;
	[tilespmem:$0x7710] =	vst v63  }
0xec: {  	s2 =	simm.s32 @!p0 $0xA;
	s12 =	sadd.s32 $0xFFFFFD80, s8  }
0xed: {  	[hbm4b:s12+s23] =	stream.strided.scatter [tilespmem:s20], [sflag:$0xB], $0xA00, s24, s23, $0x38;
	[tilespmem:$0x7710] =	vst v63  }
0xee: {  	_ =	swait.ge @!p0 [sflag:s2], $0xA00  }
0xef: {  	[sflag:s2] =	ssyncset.done @!p0 $0x0  }
0xf0: {  	[sflag:s2] =	ssyncadd.s32 @!p0 $0xFFFFF600  }
0xf1: {  	s5 =	sshra.s32 @!p0 s9, $0x2;
	_ =	swait.ge @!p0 [sflag:s2], $0xA00  }
0xf2: {  	s6 =	sadd.s32 @!p0 $0xC8, s5;
	[sflag:s2] =	ssyncset.done @!p0 $0x0  }
0xf3: {  	s7 =	simm.s32 @!p0 $0x28;
	[sflag:s2] =	ssyncadd.s32 @!p0 $0xFFFFF600;
	s2 =	simm.s32 @!p0 $0x3110  }
0xf4: {  	[tilespmem:s2], [sflag:$0x2] =	stream.indirect.gather @!p0 [hbm4b:s3+s7], $0x40, s6, s7, $0xb8;
	[tilespmem:$0x7710] =	vst v63  }
0xf5: {  	s2 =	sadd.s32 @!p0 $0x1450, s5;
	s5 =	simm.s32 @!p0 $0x5910  }
0xf6: {  	[tilespmem:s5], [sflag:$0x6] =	stream.indirect.gather @!p0 [hbm4b:s4+s7], $0x40, s2, s7, $0xb8;
	[tilespmem:$0x7710] =	vst v63  }
0xf7: {  	_ =	swait.ge [sflag:s1], $0xA00  }
0xf8: {  	[sflag:s1] =	ssyncset.done $0x0  }
0xf9: {  	[sflag:s1] =	ssyncadd.s32 $0xFFFFF600  }
0xfa: {  	_ =	swait.ge [sflag:s17], $0xA00  }
0xfb: {  	[sflag:s17] =	ssyncset.done $0x0  }
0xfc: {  	s5 =	sadd.s32 $0xFFFFFFF8, s8;
	[sflag:s17] =	ssyncadd.s32 $0xFFFFF600  }
0xfd: {  	[hbm4b:s5+s23] =	stream.strided.scatter [tilespmem:s25], [sflag:$0xC], $0xA00, s24, s23, $0x38;
	[tilespmem:$0x7710] =	vst v63  }
0xfe: {  	_ = 	snop  }
0xff: {  	[hbm4b:s8+s23] =	stream.strided.scatter [tilespmem:s26], [sflag:$0xC], $0xA00, s24, s23, $0x38;
	[tilespmem:$0x7710] =	vst v63  }
0x100: {  	_ =	swait.ge [sflag:s21], $0xA00  }
0x101: {  	[sflag:s21] =	ssyncset.done $0x0  }
0x102: {  	[sflag:s21] =	ssyncadd.s32 $0xFFFFF600  }
0x103: {  	_ =	swait.ge [sflag:s22], $0xA00  }
0x104: {  	[sflag:s22] =	ssyncset.done $0x0  }
0x105: {  	s6 =	rddreg [dreg:$0x5];
	[sflag:s22] =	ssyncadd.s32 $0xFFFFF600  }
0x106: {  	[hbm4b:s6+s23] =	stream.strided.scatter [tilespmem:s14], [sflag:$0x9], $0xA00, s24, s23, $0x38;
	[tilespmem:$0x7710] =	vst v63  }
0x107: {  	s7 =	rddreg [dreg:$0x6]  }
0x108: {  	[hbm4b:s7+s23] =	stream.strided.scatter [tilespmem:s15], [sflag:$0x9], $0xA00, s24, s23, $0x38;
	[tilespmem:$0x7710] =	vst v63  }
0x109: {  	_ =	swait.ge [sflag:s30], $0xA00  }
0x10a: {  	[sflag:s30] =	ssyncset.done $0x0  }
0x10b: {  	[sflag:s30] =	ssyncadd.s32 $0xFFFFF600  }
0x10c: {  	_ =	swait.ge [sflag:s30], $0xA00  }
0x10d: {  	[sflag:s30] =	ssyncset.done $0x0  }
0x10e: {  	s8 =	simm.s32 $0xA;
	[sflag:s30] =	ssyncadd.s32 $0xFFFFF600  }
0x10f: {  	_ =	swait.ge [sflag:s8], $0xA00  }
0x110: {  	[sflag:s8] =	ssyncset.done $0x0  }
0x111: {  	[sflag:s8] =	ssyncadd.s32 $0xFFFFF600  }
0x112: {  	_ =	swait.ge [sflag:s8], $0xA00  }
0x113: {  	[sflag:s8] =	ssyncset.done $0x0  }
0x114: {  	s9 =	simm.s32 $0xB;
	[sflag:s8] =	ssyncadd.s32 $0xFFFFF600  }
0x115: {  	_ =	swait.ge [sflag:s9], $0xA00  }
0x116: {  	[sflag:s9] =	ssyncset.done $0x0  }
0x117: {  	[sflag:s9] =	ssyncadd.s32 $0xFFFFF600  }
0x118: {  	_ =	swait.ge [sflag:s9], $0xA00  }
0x119: {  	[sflag:s9] =	ssyncset.done $0x0  }
0x11a: {  	s10 =	simm.s32 $0xC;
	[sflag:s9] =	ssyncadd.s32 $0xFFFFF600  }
0x11b: {  	_ =	swait.ge [sflag:s10], $0xA00  }
0x11c: {  	[sflag:s10] =	ssyncset.done $0x0  }
0x11d: {  	[sflag:s10] =	ssyncadd.s32 $0xFFFFF600  }
0x11e: {  	_ =	swait.ge [sflag:s10], $0xA00  }
0x11f: {  	s11 =	rddreg [dreg:$0x9]  }
0x120: {  	s12 =	rddreg [dreg:$0x7];
	s6 =	sadd.s32 $0x1, s11  }
0x121: {  	p0 =	sne.s32 s6, s12  }
.Ltmp1:
0x122: {  	_ = 	snop;
	(pc) =	sbr.rel @p0 .LBB2_1-.Ltmp1, $3  }
0x123: {  	_ =	sdelay $0x1  }
0x124: {  	[sflag:s10] =	ssyncset.done $0x0  }
0x125: {  	[sflag:s10] =	ssyncadd.s32 $0xFFFFF600  }
0x126: {  	_ =	sfence.sel $0x180000  }
0x127: {  	[bflag:$0x0] =	sbarrier.arrive $0xFFFF  }
0x128: {  	_ =	strace $0x90000047  }
0x129: {  	s0 =	stileid.u32;
	[bflag:$0x2] =	sbarrier.arrive $0xFFFF  }
0x12a: {  	p0 =	sne.s32 s0, $0x0;
	s0 =	rddreg [dreg:$0x2]  }
0x12b: {  	s0 =	sadd.s32 @!p0 $0x100000, s0  }
0x12c: {  	[sflag:s0] =	ssyncadd.tile.s32 @!p0 $0x1;
	_ =	shalt  }
.Lfunc_end2:
_tile_overlayer_lowered:
.L_overlay_start_2:
0x12d: {  	(tag) =	ssettag $0x2  }
0x12e: {  	s0 =	rddreg [dreg:$0x0];
	s2 =	stileid.u32  }
0x12f: {  	s1 =	rddreg [dreg:$0x1];
	p0 =	sne.s32 s2, $0x0  }
0x130: {  	s3 =	rddreg [dreg:$0x2];
	[bflag:$0x3] =	sbarrier.arrive $0xFFFF;
	s2 =	simm.s32 @!p0 $0x1C0D  }
0x131: {  	[timem:s3], [sflag:s2] =	dma.local @!p0 [hbm:s0], s1  }
0x132: {  	s0 =	simm.s32 @!p0 $0xD  }
0x133: {  	_ =	swait.ge @!p0 [sflag:s0], s1  }
0x134: {  	s1 =	ssub.s32 @!p0 $0x0, s1;
	[sflag:s0] =	ssyncset.done @!p0 $0x0  }
0x135: {  	[sflag:s0] =	ssyncadd.s32 @!p0 s1  }
0x136: {  	[bflag:$0x3] =	sbarrier.arrive $0xFFFF  }
0x137: {  	_ =	shalt  }

</sc_bundles>
